<compile_context>
chip_gen: v7x
topology: tpu7x:2x2x1
jax: 0.10.2.dev20260603
libtpu: 0.0.44.dev20260713+nightly
codegen_flags: <defaults>
</compile_context>

<pallas_src>
import functools

import jax
import jax.numpy as jnp
from jax import lax
from jax.experimental import pallas as pl
from jax.experimental.pallas import tpu as pltpu
from jax.experimental.pallas import tpu_sc as plsc

_BATCH = 16384
_SUB = 32
_V = 1000000
_RROWS = 253952
_TC_BLK = 8192
_GRID = _RROWS // _TC_BLK


def _tc_body(x0_ref, x1_ref, x2_ref, x3_ref, o_ref):
    eye = jnp.eye(_SUB, dtype=jnp.bfloat16)
    dn = (((0,), (0,)), ((), ()))
    parts = [
        lax.dot_general(
            x_ref[...].astype(jnp.bfloat16),
            eye,
            dn,
            preferred_element_type=jnp.float32,
        )
        for x_ref in (x0_ref, x1_ref, x2_ref, x3_ref)
    ]
    o_ref[...] = jnp.concatenate(parts, axis=1)


_tc_relayout = pl.pallas_call(
    _tc_body,
    grid=(_GRID,),
    in_specs=[
        pl.BlockSpec(
            (_SUB, _TC_BLK),
            lambda c, q=q: (
                0,
                jnp.minimum(q * _GRID + c, (_V + _TC_BLK - 1) // _TC_BLK - 1),
            ),
        )
        for q in range(4)
    ],
    out_specs=pl.BlockSpec((_TC_BLK, 128), lambda c: (c, 0)),
    out_shape=jax.ShapeDtypeStruct((_RROWS, 128), jnp.float32),
)


def _build_gather(batch):
    info = plsc.get_sparse_core_info()
    nw = info.num_cores * info.num_subcores
    bw = batch // nw
    nchunk = bw // 128
    idx_rows = batch // 128
    mesh = plsc.VectorSubcoreMesh(core_axis_name="c", subcore_axis_name="s")

    @functools.partial(
        pl.kernel,
        mesh=mesh,
        compiler_params=pltpu.CompilerParams(needs_layout_passes=False),
        out_type=jax.ShapeDtypeStruct((batch * 64 // 128, 128), jnp.float32),
        scratch_types=[
            pltpu.VMEM((nchunk, 128), jnp.int32),
            pltpu.VMEM((nchunk, 128), jnp.int32),
            pltpu.VMEM((bw, 128), jnp.float32),
            pltpu.VMEM((bw // 2, 128), jnp.float32),
            pltpu.SemaphoreType.DMA,
        ],
    )
    def gather(k_hbm, q_hbm, r0_hbm, r1_hbm, out_hbm, kv, qv, rows_v, out_v, sem):
        wid = lax.axis_index("s") * info.num_cores + lax.axis_index("c")
        for h, r_hbm in enumerate((r0_hbm, r1_hbm)):
            base_row = h * idx_rows + wid * nchunk
            pltpu.sync_copy(k_hbm.at[pl.ds(base_row, nchunk)], kv)
            pltpu.sync_copy(q_hbm.at[pl.ds(base_row, nchunk)], qv)
            copies = [
                pltpu.async_copy(
                    r_hbm.at[kv.at[j]], rows_v.at[pl.ds(j * 128, 128)], sem
                )
                for j in range(nchunk)
            ]
            for c in copies:
                c.wait()
            def extract(g, _, h=h):
                ivec = jnp.full((16,), g * 16, jnp.int32) + lax.iota(jnp.int32, 16)
                qvec = qv[g // 8, pl.ds((g % 8) * 16, 16)]
                lbase = qvec * 32
                orow = lax.shift_right_logical(ivec, 1)
                obase = (ivec & 1) * 64 + h * 32
                for f in range(_SUB):
                    vals = plsc.load_gather(rows_v, [ivec, lbase + f])
                    plsc.store_scatter(out_v, [orow, obase + f], vals)
                return _

            lax.fori_loop(0, bw // 16, extract, None)
        pltpu.sync_copy(out_v, out_hbm.at[pl.ds(wid * (bw // 2), bw // 2)])

    return gather


_gather = _build_gather(_BATCH)


def kernel(indices, table0, table1):
    idx = indices.astype(jnp.int32)
    kidx = (idx % _RROWS).reshape(2 * _BATCH // 128, 128)
    qidx = (idx // _RROWS).reshape(2 * _BATCH // 128, 128)
    tt0 = table0.T
    tt1 = table1.T
    r0 = _tc_relayout(tt0, tt0, tt0, tt0)
    r1 = _tc_relayout(tt1, tt1, tt1, tt1)
    out = _gather(kidx, qidx, r0, r1)
    return out.reshape(_BATCH, 64)

# --- scband reference (transcript-rebuilt; emitter-appended) ---
"""Pipeline reference for scband-hash-embedding-18313740550721 (READ-ONLY COPY).

The authoritative reference and input builder live on the scoring server;
editing this copy changes nothing except your own understanding.
"""

import jax, jax.numpy as jnp
import numpy as np

NUM_EMBEDDINGS = 1000000
EMBEDDING_DIM = 64
NUM_HASHES = 2
BATCH = 16384
SUB_DIM = EMBEDDING_DIM // NUM_HASHES


def setup_inputs(seed: int = 0) -> dict:
    key = jax.random.key(seed)
    k_idx, k_t0, k_t1 = jax.random.split(key, 3)
    # Precomputed hash indices: one row per hash function (md5-based string hashing
    # is modeled as uniform random indices into the table).
    indices = jax.random.randint(k_idx, (NUM_HASHES, BATCH), 0, NUM_EMBEDDINGS, dtype=jnp.int64)
    # Learned parameters: one sub-table per hash function, init std=0.02.
    table0 = jax.random.normal(k_t0, (NUM_EMBEDDINGS, SUB_DIM), dtype=jnp.float32) * 0.02
    table1 = jax.random.normal(k_t1, (NUM_EMBEDDINGS, SUB_DIM), dtype=jnp.float32) * 0.02
    return {"indices": indices, "table0": table0, "table1": table1}


def reference(indices, table0, table1):
    # For each hash function, gather from its sub-table, then concat along feature dim.
    e0 = jnp.take(table0, indices[0], axis=0)
    e1 = jnp.take(table1, indices[1], axis=0)
    final_embeddings = jnp.concatenate([e0, e1], axis=1)
    return final_embeddings

if __name__ == "__main__":
    import jax
    _d = setup_inputs()
    print(jax.jit(kernel)(*tuple(_d.values())))

</pallas_src>

<mosaic_0001>
#map = affine_map<(d0, d1) -> (0, 0)>
module attributes {stable_mosaic.version = 14 : i64} {
  func.func @gather(%arg0: i32, %arg1: i32, %arg2: memref<256x128xi32, #tpu.memory_space<hbm>>, %arg3: memref<256x128xi32, #tpu.memory_space<hbm>>, %arg4: memref<253952x128xf32, #tpu.memory_space<hbm>>, %arg5: memref<253952x128xf32, #tpu.memory_space<hbm>>, %arg6: memref<8192x128xf32, #tpu.memory_space<hbm>>, %arg7: memref<4x128xi32, #tpu.memory_space<vmem>>, %arg8: memref<4x128xi32, #tpu.memory_space<vmem>>, %arg9: memref<512x128xf32, #tpu.memory_space<vmem>>, %arg10: memref<256x128xf32, #tpu.memory_space<vmem>>, %arg11: memref<!tpu.dma_semaphore, #tpu.memory_space<semaphore_mem>>) attributes {dimension_semantics = [#tpu.dimension_semantics<core_parallel>, #tpu.dimension_semantics<subcore_parallel>], iteration_bounds = array<i64: 2, 16>, scalar_prefetch = 0 : i64, scratch_operands = 5 : i64, tpu.core_type = #tpu.core_type<sc_vector_subcore>, window_params = [{transform_indices = #map}, {transform_indices = #map}, {transform_indices = #map}, {transform_indices = #map}, {transform_indices = #map}]} {
    %mul3A = arith.constant 2 : i32
    %mul3A_0 = arith.muli %arg1, %mul3A : i32
    %add3A = arith.addi %mul3A_0, %arg0 : i32
    %mul3A_1 = arith.constant 4 : i32
    %mul3A_2 = arith.muli %add3A, %mul3A_1 : i32
    %add3A_3 = arith.constant 0 : i32
    %add3A_4 = arith.addi %add3A_3, %mul3A_2 : i32
    "tpu.region"() ({
      %run_scoped3A = tpu.sem_alloc : memref<!tpu.dma_semaphore, #tpu.memory_space<semaphore_mem>>
      %dma_start3A_178 = arith.constant 0 : i32
      %dma_start3A_179 = tpu.memref_slice %arg2[%add3A_4, %dma_start3A_178] : memref<256x128xi32, #tpu.memory_space<hbm>> -> memref<4x128xi32, #tpu.memory_space<hbm>>
      %dma_start3A_180 = arith.constant 0 : i32
      %dma_start3A_181 = tpu.memref_slice %arg2[%add3A_4, %dma_start3A_180] : memref<256x128xi32, #tpu.memory_space<hbm>> -> memref<4x128xi32, #tpu.memory_space<hbm>>
      tpu.enqueue_dma source(%dma_start3A_181 : memref<4x128xi32, #tpu.memory_space<hbm>>) target(%arg7 : memref<4x128xi32, #tpu.memory_space<vmem>>) target_semaphore(%run_scoped3A : memref<!tpu.dma_semaphore, #tpu.memory_space<semaphore_mem>>)
      %dma_wait3A_182 = arith.constant 0 : i32
      %dma_wait3A_183 = tpu.memref_slice %arg2[%add3A_4, %dma_wait3A_182] : memref<256x128xi32, #tpu.memory_space<hbm>> -> memref<4x128xi32, #tpu.memory_space<hbm>>
      %dma_wait3A_184 = arith.constant 0 : i32
      %dma_wait3A_185 = tpu.memref_slice %arg2[%add3A_4, %dma_wait3A_184] : memref<256x128xi32, #tpu.memory_space<hbm>> -> memref<4x128xi32, #tpu.memory_space<hbm>>
      tpu.wait_dma2 semaphore(%run_scoped3A : memref<!tpu.dma_semaphore, #tpu.memory_space<semaphore_mem>>) src(%dma_wait3A_185 : memref<4x128xi32, #tpu.memory_space<hbm>>) dst(%arg7 : memref<4x128xi32, #tpu.memory_space<vmem>>)
      tpu.yield
    }) : () -> ()
    "tpu.region"() ({
      %run_scoped3A = tpu.sem_alloc : memref<!tpu.dma_semaphore, #tpu.memory_space<semaphore_mem>>
      %dma_start3A_178 = arith.constant 0 : i32
      %dma_start3A_179 = tpu.memref_slice %arg3[%add3A_4, %dma_start3A_178] : memref<256x128xi32, #tpu.memory_space<hbm>> -> memref<4x128xi32, #tpu.memory_space<hbm>>
      %dma_start3A_180 = arith.constant 0 : i32
      %dma_start3A_181 = tpu.memref_slice %arg3[%add3A_4, %dma_start3A_180] : memref<256x128xi32, #tpu.memory_space<hbm>> -> memref<4x128xi32, #tpu.memory_space<hbm>>
      tpu.enqueue_dma source(%dma_start3A_181 : memref<4x128xi32, #tpu.memory_space<hbm>>) target(%arg8 : memref<4x128xi32, #tpu.memory_space<vmem>>) target_semaphore(%run_scoped3A : memref<!tpu.dma_semaphore, #tpu.memory_space<semaphore_mem>>)
      %dma_wait3A_182 = arith.constant 0 : i32
      %dma_wait3A_183 = tpu.memref_slice %arg3[%add3A_4, %dma_wait3A_182] : memref<256x128xi32, #tpu.memory_space<hbm>> -> memref<4x128xi32, #tpu.memory_space<hbm>>
      %dma_wait3A_184 = arith.constant 0 : i32
      %dma_wait3A_185 = tpu.memref_slice %arg3[%add3A_4, %dma_wait3A_184] : memref<256x128xi32, #tpu.memory_space<hbm>> -> memref<4x128xi32, #tpu.memory_space<hbm>>
      tpu.wait_dma2 semaphore(%run_scoped3A : memref<!tpu.dma_semaphore, #tpu.memory_space<semaphore_mem>>) src(%dma_wait3A_185 : memref<4x128xi32, #tpu.memory_space<hbm>>) dst(%arg8 : memref<4x128xi32, #tpu.memory_space<vmem>>)
      tpu.yield
    }) : () -> ()
    %dma_start3A = arith.constant 0 : i32
    %dma_start3A_5 = arith.constant 0 : i32
    %dma_start3A_6 = arith.constant 0 : i32
    %dma_start3A_7 = tpu.memref_slice %arg9[%dma_start3A_5, %dma_start3A_6] : memref<512x128xf32, #tpu.memory_space<vmem>> -> memref<128x128xf32, #tpu.memory_space<vmem>>
    %dma_start3A_8 = arith.constant 0 : i32
    %dma_start3A_9 = tpu.memref_slice %arg7[%dma_start3A, %dma_start3A_8] : memref<4x128xi32, #tpu.memory_space<vmem>> -> memref<1x128xi32, #tpu.memory_space<vmem>>
    %dma_start3A_10 = tpu.memref_squeeze %dma_start3A_9 : memref<1x128xi32, #tpu.memory_space<vmem>> -> memref<128xi32, #tpu.memory_space<vmem>>
    %dma_start3A_11 = arith.constant 0 : i32
    %dma_start3A_12 = arith.constant 0 : i32
    %dma_start3A_13 = tpu.memref_slice %arg4[%dma_start3A_11, %dma_start3A_12] : memref<253952x128xf32, #tpu.memory_space<hbm>> -> memref<253952x128xf32, #tpu.memory_space<hbm>>
    tpu.enqueue_indirect_dma source(%dma_start3A_13 : memref<253952x128xf32, #tpu.memory_space<hbm>>) target(%dma_start3A_7 : memref<128x128xf32, #tpu.memory_space<vmem>>) offsets(%dma_start3A_10 : memref<128xi32, #tpu.memory_space<vmem>>) semaphore(%arg11 : memref<!tpu.dma_semaphore, #tpu.memory_space<semaphore_mem>>)
    %dma_start3A_14 = arith.constant 1 : i32
    %dma_start3A_15 = arith.constant 128 : i32
    %dma_start3A_16 = arith.constant 0 : i32
    %dma_start3A_17 = tpu.memref_slice %arg9[%dma_start3A_15, %dma_start3A_16] : memref<512x128xf32, #tpu.memory_space<vmem>> -> memref<128x128xf32, #tpu.memory_space<vmem>>
    %dma_start3A_18 = arith.constant 0 : i32
    %dma_start3A_19 = tpu.memref_slice %arg7[%dma_start3A_14, %dma_start3A_18] : memref<4x128xi32, #tpu.memory_space<vmem>> -> memref<1x128xi32, #tpu.memory_space<vmem>>
    %dma_start3A_20 = tpu.memref_squeeze %dma_start3A_19 : memref<1x128xi32, #tpu.memory_space<vmem>> -> memref<128xi32, #tpu.memory_space<vmem>>
    %dma_start3A_21 = arith.constant 0 : i32
    %dma_start3A_22 = arith.constant 0 : i32
    %dma_start3A_23 = tpu.memref_slice %arg4[%dma_start3A_21, %dma_start3A_22] : memref<253952x128xf32, #tpu.memory_space<hbm>> -> memref<253952x128xf32, #tpu.memory_space<hbm>>
    tpu.enqueue_indirect_dma source(%dma_start3A_23 : memref<253952x128xf32, #tpu.memory_space<hbm>>) target(%dma_start3A_17 : memref<128x128xf32, #tpu.memory_space<vmem>>) offsets(%dma_start3A_20 : memref<128xi32, #tpu.memory_space<vmem>>) semaphore(%arg11 : memref<!tpu.dma_semaphore, #tpu.memory_space<semaphore_mem>>)
    %dma_start3A_24 = arith.constant 2 : i32
    %dma_start3A_25 = arith.constant 256 : i32
    %dma_start3A_26 = arith.constant 0 : i32
    %dma_start3A_27 = tpu.memref_slice %arg9[%dma_start3A_25, %dma_start3A_26] : memref<512x128xf32, #tpu.memory_space<vmem>> -> memref<128x128xf32, #tpu.memory_space<vmem>>
    %dma_start3A_28 = arith.constant 0 : i32
    %dma_start3A_29 = tpu.memref_slice %arg7[%dma_start3A_24, %dma_start3A_28] : memref<4x128xi32, #tpu.memory_space<vmem>> -> memref<1x128xi32, #tpu.memory_space<vmem>>
    %dma_start3A_30 = tpu.memref_squeeze %dma_start3A_29 : memref<1x128xi32, #tpu.memory_space<vmem>> -> memref<128xi32, #tpu.memory_space<vmem>>
    %dma_start3A_31 = arith.constant 0 : i32
    %dma_start3A_32 = arith.constant 0 : i32
    %dma_start3A_33 = tpu.memref_slice %arg4[%dma_start3A_31, %dma_start3A_32] : memref<253952x128xf32, #tpu.memory_space<hbm>> -> memref<253952x128xf32, #tpu.memory_space<hbm>>
    tpu.enqueue_indirect_dma source(%dma_start3A_33 : memref<253952x128xf32, #tpu.memory_space<hbm>>) target(%dma_start3A_27 : memref<128x128xf32, #tpu.memory_space<vmem>>) offsets(%dma_start3A_30 : memref<128xi32, #tpu.memory_space<vmem>>) semaphore(%arg11 : memref<!tpu.dma_semaphore, #tpu.memory_space<semaphore_mem>>)
    %dma_start3A_34 = arith.constant 3 : i32
    %dma_start3A_35 = arith.constant 384 : i32
    %dma_start3A_36 = arith.constant 0 : i32
    %dma_start3A_37 = tpu.memref_slice %arg9[%dma_start3A_35, %dma_start3A_36] : memref<512x128xf32, #tpu.memory_space<vmem>> -> memref<128x128xf32, #tpu.memory_space<vmem>>
    %dma_start3A_38 = arith.constant 0 : i32
    %dma_start3A_39 = tpu.memref_slice %arg7[%dma_start3A_34, %dma_start3A_38] : memref<4x128xi32, #tpu.memory_space<vmem>> -> memref<1x128xi32, #tpu.memory_space<vmem>>
    %dma_start3A_40 = tpu.memref_squeeze %dma_start3A_39 : memref<1x128xi32, #tpu.memory_space<vmem>> -> memref<128xi32, #tpu.memory_space<vmem>>
    %dma_start3A_41 = arith.constant 0 : i32
    %dma_start3A_42 = arith.constant 0 : i32
    %dma_start3A_43 = tpu.memref_slice %arg4[%dma_start3A_41, %dma_start3A_42] : memref<253952x128xf32, #tpu.memory_space<hbm>> -> memref<253952x128xf32, #tpu.memory_space<hbm>>
    tpu.enqueue_indirect_dma source(%dma_start3A_43 : memref<253952x128xf32, #tpu.memory_space<hbm>>) target(%dma_start3A_37 : memref<128x128xf32, #tpu.memory_space<vmem>>) offsets(%dma_start3A_40 : memref<128xi32, #tpu.memory_space<vmem>>) semaphore(%arg11 : memref<!tpu.dma_semaphore, #tpu.memory_space<semaphore_mem>>)
    %dma_wait3A = arith.constant 0 : i32
    %dma_wait3A_44 = arith.constant 0 : i32
    %dma_wait3A_45 = arith.constant 0 : i32
    %dma_wait3A_46 = tpu.memref_slice %arg9[%dma_wait3A_44, %dma_wait3A_45] : memref<512x128xf32, #tpu.memory_space<vmem>> -> memref<128x128xf32, #tpu.memory_space<vmem>>
    %dma_wait3A_47 = arith.constant 0 : i32
    %dma_wait3A_48 = tpu.memref_slice %arg7[%dma_wait3A, %dma_wait3A_47] : memref<4x128xi32, #tpu.memory_space<vmem>> -> memref<1x128xi32, #tpu.memory_space<vmem>>
    %dma_wait3A_49 = tpu.memref_squeeze %dma_wait3A_48 : memref<1x128xi32, #tpu.memory_space<vmem>> -> memref<128xi32, #tpu.memory_space<vmem>>
    %dma_wait3A_50 = arith.constant 0 : i32
    %dma_wait3A_51 = arith.constant 0 : i32
    %dma_wait3A_52 = tpu.memref_slice %arg4[%dma_wait3A_50, %dma_wait3A_51] : memref<253952x128xf32, #tpu.memory_space<hbm>> -> memref<253952x128xf32, #tpu.memory_space<hbm>>
    tpu.wait_indirect_dma semaphore(%arg11 : memref<!tpu.dma_semaphore, #tpu.memory_space<semaphore_mem>>) src(%dma_wait3A_52 : memref<253952x128xf32, #tpu.memory_space<hbm>>) dst(%dma_wait3A_46 : memref<128x128xf32, #tpu.memory_space<vmem>>)
    %dma_wait3A_53 = arith.constant 1 : i32
    %dma_wait3A_54 = arith.constant 128 : i32
    %dma_wait3A_55 = arith.constant 0 : i32
    %dma_wait3A_56 = tpu.memref_slice %arg9[%dma_wait3A_54, %dma_wait3A_55] : memref<512x128xf32, #tpu.memory_space<vmem>> -> memref<128x128xf32, #tpu.memory_space<vmem>>
    %dma_wait3A_57 = arith.constant 0 : i32
    %dma_wait3A_58 = tpu.memref_slice %arg7[%dma_wait3A_53, %dma_wait3A_57] : memref<4x128xi32, #tpu.memory_space<vmem>> -> memref<1x128xi32, #tpu.memory_space<vmem>>
    %dma_wait3A_59 = tpu.memref_squeeze %dma_wait3A_58 : memref<1x128xi32, #tpu.memory_space<vmem>> -> memref<128xi32, #tpu.memory_space<vmem>>
    %dma_wait3A_60 = arith.constant 0 : i32
    %dma_wait3A_61 = arith.constant 0 : i32
    %dma_wait3A_62 = tpu.memref_slice %arg4[%dma_wait3A_60, %dma_wait3A_61] : memref<253952x128xf32, #tpu.memory_space<hbm>> -> memref<253952x128xf32, #tpu.memory_space<hbm>>
    tpu.wait_indirect_dma semaphore(%arg11 : memref<!tpu.dma_semaphore, #tpu.memory_space<semaphore_mem>>) src(%dma_wait3A_62 : memref<253952x128xf32, #tpu.memory_space<hbm>>) dst(%dma_wait3A_56 : memref<128x128xf32, #tpu.memory_space<vmem>>)
    %dma_wait3A_63 = arith.constant 2 : i32
    %dma_wait3A_64 = arith.constant 256 : i32
    %dma_wait3A_65 = arith.constant 0 : i32
    %dma_wait3A_66 = tpu.memref_slice %arg9[%dma_wait3A_64, %dma_wait3A_65] : memref<512x128xf32, #tpu.memory_space<vmem>> -> memref<128x128xf32, #tpu.memory_space<vmem>>
    %dma_wait3A_67 = arith.constant 0 : i32
    %dma_wait3A_68 = tpu.memref_slice %arg7[%dma_wait3A_63, %dma_wait3A_67] : memref<4x128xi32, #tpu.memory_space<vmem>> -> memref<1x128xi32, #tpu.memory_space<vmem>>
    %dma_wait3A_69 = tpu.memref_squeeze %dma_wait3A_68 : memref<1x128xi32, #tpu.memory_space<vmem>> -> memref<128xi32, #tpu.memory_space<vmem>>
    %dma_wait3A_70 = arith.constant 0 : i32
    %dma_wait3A_71 = arith.constant 0 : i32
    %dma_wait3A_72 = tpu.memref_slice %arg4[%dma_wait3A_70, %dma_wait3A_71] : memref<253952x128xf32, #tpu.memory_space<hbm>> -> memref<253952x128xf32, #tpu.memory_space<hbm>>
    tpu.wait_indirect_dma semaphore(%arg11 : memref<!tpu.dma_semaphore, #tpu.memory_space<semaphore_mem>>) src(%dma_wait3A_72 : memref<253952x128xf32, #tpu.memory_space<hbm>>) dst(%dma_wait3A_66 : memref<128x128xf32, #tpu.memory_space<vmem>>)
    %dma_wait3A_73 = arith.constant 3 : i32
    %dma_wait3A_74 = arith.constant 384 : i32
    %dma_wait3A_75 = arith.constant 0 : i32
    %dma_wait3A_76 = tpu.memref_slice %arg9[%dma_wait3A_74, %dma_wait3A_75] : memref<512x128xf32, #tpu.memory_space<vmem>> -> memref<128x128xf32, #tpu.memory_space<vmem>>
    %dma_wait3A_77 = arith.constant 0 : i32
    %dma_wait3A_78 = tpu.memref_slice %arg7[%dma_wait3A_73, %dma_wait3A_77] : memref<4x128xi32, #tpu.memory_space<vmem>> -> memref<1x128xi32, #tpu.memory_space<vmem>>
    %dma_wait3A_79 = tpu.memref_squeeze %dma_wait3A_78 : memref<1x128xi32, #tpu.memory_space<vmem>> -> memref<128xi32, #tpu.memory_space<vmem>>
    %dma_wait3A_80 = arith.constant 0 : i32
    %dma_wait3A_81 = arith.constant 0 : i32
    %dma_wait3A_82 = tpu.memref_slice %arg4[%dma_wait3A_80, %dma_wait3A_81] : memref<253952x128xf32, #tpu.memory_space<hbm>> -> memref<253952x128xf32, #tpu.memory_space<hbm>>
    tpu.wait_indirect_dma semaphore(%arg11 : memref<!tpu.dma_semaphore, #tpu.memory_space<semaphore_mem>>) src(%dma_wait3A_82 : memref<253952x128xf32, #tpu.memory_space<hbm>>) dst(%dma_wait3A_76 : memref<128x128xf32, #tpu.memory_space<vmem>>)
    %scan3A = arith.constant 0 : i32
    %scan3A_83 = arith.constant 32 : i32
    %scan3A_84 = arith.addi %scan3A, %scan3A_83 : i32
    %scan3A_85 = arith.constant 1 : i32
    scf.for %scan3A_178 = %scan3A to %scan3A_84 step %scan3A_85  : i32 {
      %mul3A_179 = arith.constant 16 : i32
      %mul3A_180 = arith.muli %scan3A_178, %mul3A_179 : i32
      %broadcast_in_dim3A = vector.broadcast %mul3A_180 : i32 to vector<16xi32>
      %iota3A = tpu.iota {dimensions = array<i32: 0>} : vector<16xi32>
      %add3A_181 = arith.addi %broadcast_in_dim3A, %iota3A : vector<16xi32>
      %jit3A = arith.constant 8 : i32
      %div3A = arith.divsi %scan3A_178, %jit3A : i32
      %sign3A = arith.constant 0 : i32
      %sign3A_182 = arith.cmpi sgt, %scan3A_178, %sign3A : i32
      %sign3A_183 = arith.extui %sign3A_182 : i1 to i32
      %sign3A_184 = arith.constant 0 : i32
      %sign3A_185 = arith.cmpi slt, %scan3A_178, %sign3A_184 : i32
      %sign3A_186 = arith.extui %sign3A_185 : i1 to i32
      %sign3A_187 = arith.subi %sign3A_183, %sign3A_186 : i32
      %sign3A_188 = arith.constant 0 : i32
      %sign3A_189 = arith.cmpi sgt, %jit3A, %sign3A_188 : i32
      %sign3A_190 = arith.extui %sign3A_189 : i1 to i32
      %sign3A_191 = arith.constant 0 : i32
      %sign3A_192 = arith.cmpi slt, %jit3A, %sign3A_191 : i32
      %sign3A_193 = arith.extui %sign3A_192 : i1 to i32
      %sign3A_194 = arith.subi %sign3A_190, %sign3A_193 : i32
      %ne3A = arith.cmpi ne, %sign3A_187, %sign3A_194 : i32
      %rem3A = arith.remsi %scan3A_178, %jit3A : i32
      %ne3A_195 = arith.constant 0 : i32
      %ne3A_196 = arith.cmpi ne, %rem3A, %ne3A_195 : i32
      %and3A = arith.andi %ne3A, %ne3A_196 : i1
      %sub3A = arith.constant 1 : i32
      %sub3A_197 = arith.subi %div3A, %sub3A : i32
      %select_n3A = arith.select %and3A, %sub3A_197, %div3A : i32
      %jit3A_198 = arith.constant 8 : i32
      %eq3A = arith.constant 0 : i32
      %eq3A_199 = arith.cmpi eq, %jit3A_198, %eq3A : i32
      %jit3A_200 = arith.constant 1 : i32
      %select_n3A_201 = arith.select %eq3A_199, %jit3A_200, %jit3A_198 : i32
      %rem3A_202 = arith.remsi %scan3A_178, %select_n3A_201 : i32
      %ne3A_203 = arith.constant 0 : i32
      %ne3A_204 = arith.cmpi ne, %rem3A_202, %ne3A_203 : i32
      %lt3A = arith.constant 0 : i32
      %lt3A_205 = arith.cmpi slt, %rem3A_202, %lt3A : i32
      %lt3A_206 = arith.constant 0 : i32
      %lt3A_207 = arith.cmpi slt, %select_n3A_201, %lt3A_206 : i32
      %ne3A_208 = arith.xori %lt3A_205, %lt3A_207 : i1
      %and3A_209 = arith.andi %ne3A_208, %ne3A_204 : i1
      %add3A_210 = arith.addi %rem3A_202, %select_n3A_201 : i32
      %select_n3A_211 = arith.select %and3A_209, %add3A_210, %rem3A_202 : i32
      %mul3A_212 = arith.constant 16 : i32
      %mul3A_213 = arith.muli %select_n3A_211, %mul3A_212 : i32
      %get3A = arith.index_cast %select_n3A : i32 to index
      %get3A_214 = arith.index_cast %mul3A_213 : i32 to index
      %get3A_215 = tpu.vector_load %arg8[%get3A, %get3A_214] {strides = array<i32>} : memref<4x128xi32, #tpu.memory_space<vmem>>, vector<16xi32>,
      %mul3A_216 = arith.constant 32 : i32
      %mul3A_217 = vector.broadcast %mul3A_216 : i32 to vector<16xi32>
      %mul3A_218 = arith.muli %get3A_215, %mul3A_217 : vector<16xi32>
      %shift_right_logical3A = arith.constant 1 : i32
      %shift_right_logical3A_219 = vector.broadcast %shift_right_logical3A : i32 to vector<16xi32>
      %shift_right_logical3A_220 = arith.shrui %add3A_181, %shift_right_logical3A_219 : vector<16xi32>
      %and3A_221 = arith.constant 1 : i32
      %and3A_222 = vector.broadcast %and3A_221 : i32 to vector<16xi32>
      %and3A_223 = arith.andi %add3A_181, %and3A_222 : vector<16xi32>
      %mul3A_224 = arith.constant 64 : i32
      %mul3A_225 = vector.broadcast %mul3A_224 : i32 to vector<16xi32>
      %mul3A_226 = arith.muli %and3A_223, %mul3A_225 : vector<16xi32>
      %add3A_227 = arith.constant 0 : i32
      %add3A_228 = vector.broadcast %add3A_227 : i32 to vector<16xi32>
      %add3A_229 = arith.addi %mul3A_226, %add3A_228 : vector<16xi32>
      %add3A_230 = arith.constant 0 : i32
      %add3A_231 = vector.broadcast %add3A_230 : i32 to vector<16xi32>
      %add3A_232 = arith.addi %mul3A_218, %add3A_231 : vector<16xi32>
      %gather3A = tpu.vector_load_idx %arg9[%add3A_181, %add3A_232] : memref<512x128xf32, #tpu.memory_space<vmem>>[vector<16xi32>, vector<16xi32>], vector<16xf32>,
      %add3A_233 = arith.constant 0 : i32
      %add3A_234 = vector.broadcast %add3A_233 : i32 to vector<16xi32>
      %add3A_235 = arith.addi %add3A_229, %add3A_234 : vector<16xi32>
      tpu.vector_store_idx %arg10[%shift_right_logical3A_220, %add3A_235], %gather3A : memref<256x128xf32, #tpu.memory_space<vmem>>[vector<16xi32>, vector<16xi32>], vector<16xf32>,
      %add3A_236 = arith.constant 1 : i32
      %add3A_237 = vector.broadcast %add3A_236 : i32 to vector<16xi32>
      %add3A_238 = arith.addi %mul3A_218, %add3A_237 : vector<16xi32>
      %gather3A_239 = tpu.vector_load_idx %arg9[%add3A_181, %add3A_238] : memref<512x128xf32, #tpu.memory_space<vmem>>[vector<16xi32>, vector<16xi32>], vector<16xf32>,
      %add3A_240 = arith.constant 1 : i32
      %add3A_241 = vector.broadcast %add3A_240 : i32 to vector<16xi32>
      %add3A_242 = arith.addi %add3A_229, %add3A_241 : vector<16xi32>
      tpu.vector_store_idx %arg10[%shift_right_logical3A_220, %add3A_242], %gather3A_239 : memref<256x128xf32, #tpu.memory_space<vmem>>[vector<16xi32>, vector<16xi32>], vector<16xf32>,
      %add3A_243 = arith.constant 2 : i32
      %add3A_244 = vector.broadcast %add3A_243 : i32 to vector<16xi32>
      %add3A_245 = arith.addi %mul3A_218, %add3A_244 : vector<16xi32>
      %gather3A_246 = tpu.vector_load_idx %arg9[%add3A_181, %add3A_245] : memref<512x128xf32, #tpu.memory_space<vmem>>[vector<16xi32>, vector<16xi32>], vector<16xf32>,
      %add3A_247 = arith.constant 2 : i32
      %add3A_248 = vector.broadcast %add3A_247 : i32 to vector<16xi32>
      %add3A_249 = arith.addi %add3A_229, %add3A_248 : vector<16xi32>
      tpu.vector_store_idx %arg10[%shift_right_logical3A_220, %add3A_249], %gather3A_246 : memref<256x128xf32, #tpu.memory_space<vmem>>[vector<16xi32>, vector<16xi32>], vector<16xf32>,
      %add3A_250 = arith.constant 3 : i32
      %add3A_251 = vector.broadcast %add3A_250 : i32 to vector<16xi32>
      %add3A_252 = arith.addi %mul3A_218, %add3A_251 : vector<16xi32>
      %gather3A_253 = tpu.vector_load_idx %arg9[%add3A_181, %add3A_252] : memref<512x128xf32, #tpu.memory_space<vmem>>[vector<16xi32>, vector<16xi32>], vector<16xf32>,
      %add3A_254 = arith.constant 3 : i32
      %add3A_255 = vector.broadcast %add3A_254 : i32 to vector<16xi32>
      %add3A_256 = arith.addi %add3A_229, %add3A_255 : vector<16xi32>
      tpu.vector_store_idx %arg10[%shift_right_logical3A_220, %add3A_256], %gather3A_253 : memref<256x128xf32, #tpu.memory_space<vmem>>[vector<16xi32>, vector<16xi32>], vector<16xf32>,
      %add3A_257 = arith.constant 4 : i32
      %add3A_258 = vector.broadcast %add3A_257 : i32 to vector<16xi32>
      %add3A_259 = arith.addi %mul3A_218, %add3A_258 : vector<16xi32>
      %gather3A_260 = tpu.vector_load_idx %arg9[%add3A_181, %add3A_259] : memref<512x128xf32, #tpu.memory_space<vmem>>[vector<16xi32>, vector<16xi32>], vector<16xf32>,
      %add3A_261 = arith.constant 4 : i32
      %add3A_262 = vector.broadcast %add3A_261 : i32 to vector<16xi32>
      %add3A_263 = arith.addi %add3A_229, %add3A_262 : vector<16xi32>
      tpu.vector_store_idx %arg10[%shift_right_logical3A_220, %add3A_263], %gather3A_260 : memref<256x128xf32, #tpu.memory_space<vmem>>[vector<16xi32>, vector<16xi32>], vector<16xf32>,
      %add3A_264 = arith.constant 5 : i32
      %add3A_265 = vector.broadcast %add3A_264 : i32 to vector<16xi32>
      %add3A_266 = arith.addi %mul3A_218, %add3A_265 : vector<16xi32>
      %gather3A_267 = tpu.vector_load_idx %arg9[%add3A_181, %add3A_266] : memref<512x128xf32, #tpu.memory_space<vmem>>[vector<16xi32>, vector<16xi32>], vector<16xf32>,
      %add3A_268 = arith.constant 5 : i32
      %add3A_269 = vector.broadcast %add3A_268 : i32 to vector<16xi32>
      %add3A_270 = arith.addi %add3A_229, %add3A_269 : vector<16xi32>
      tpu.vector_store_idx %arg10[%shift_right_logical3A_220, %add3A_270], %gather3A_267 : memref<256x128xf32, #tpu.memory_space<vmem>>[vector<16xi32>, vector<16xi32>], vector<16xf32>,
      %add3A_271 = arith.constant 6 : i32
      %add3A_272 = vector.broadcast %add3A_271 : i32 to vector<16xi32>
      %add3A_273 = arith.addi %mul3A_218, %add3A_272 : vector<16xi32>
      %gather3A_274 = tpu.vector_load_idx %arg9[%add3A_181, %add3A_273] : memref<512x128xf32, #tpu.memory_space<vmem>>[vector<16xi32>, vector<16xi32>], vector<16xf32>,
      %add3A_275 = arith.constant 6 : i32
      %add3A_276 = vector.broadcast %add3A_275 : i32 to vector<16xi32>
      %add3A_277 = arith.addi %add3A_229, %add3A_276 : vector<16xi32>
      tpu.vector_store_idx %arg10[%shift_right_logical3A_220, %add3A_277], %gather3A_274 : memref<256x128xf32, #tpu.memory_space<vmem>>[vector<16xi32>, vector<16xi32>], vector<16xf32>,
      %add3A_278 = arith.constant 7 : i32
      %add3A_279 = vector.broadcast %add3A_278 : i32 to vector<16xi32>
      %add3A_280 = arith.addi %mul3A_218, %add3A_279 : vector<16xi32>
      %gather3A_281 = tpu.vector_load_idx %arg9[%add3A_181, %add3A_280] : memref<512x128xf32, #tpu.memory_space<vmem>>[vector<16xi32>, vector<16xi32>], vector<16xf32>,
      %add3A_282 = arith.constant 7 : i32
      %add3A_283 = vector.broadcast %add3A_282 : i32 to vector<16xi32>
      %add3A_284 = arith.addi %add3A_229, %add3A_283 : vector<16xi32>
      tpu.vector_store_idx %arg10[%shift_right_logical3A_220, %add3A_284], %gather3A_281 : memref<256x128xf32, #tpu.memory_space<vmem>>[vector<16xi32>, vector<16xi32>], vector<16xf32>,
      %add3A_285 = arith.constant 8 : i32
      %add3A_286 = vector.broadcast %add3A_285 : i32 to vector<16xi32>
      %add3A_287 = arith.addi %mul3A_218, %add3A_286 : vector<16xi32>
      %gather3A_288 = tpu.vector_load_idx %arg9[%add3A_181, %add3A_287] : memref<512x128xf32, #tpu.memory_space<vmem>>[vector<16xi32>, vector<16xi32>], vector<16xf32>,
      %add3A_289 = arith.constant 8 : i32
      %add3A_290 = vector.broadcast %add3A_289 : i32 to vector<16xi32>
      %add3A_291 = arith.addi %add3A_229, %add3A_290 : vector<16xi32>
      tpu.vector_store_idx %arg10[%shift_right_logical3A_220, %add3A_291], %gather3A_288 : memref<256x128xf32, #tpu.memory_space<vmem>>[vector<16xi32>, vector<16xi32>], vector<16xf32>,
      %add3A_292 = arith.constant 9 : i32
      %add3A_293 = vector.broadcast %add3A_292 : i32 to vector<16xi32>
      %add3A_294 = arith.addi %mul3A_218, %add3A_293 : vector<16xi32>
      %gather3A_295 = tpu.vector_load_idx %arg9[%add3A_181, %add3A_294] : memref<512x128xf32, #tpu.memory_space<vmem>>[vector<16xi32>, vector<16xi32>], vector<16xf32>,
      %add3A_296 = arith.constant 9 : i32
      %add3A_297 = vector.broadcast %add3A_296 : i32 to vector<16xi32>
      %add3A_298 = arith.addi %add3A_229, %add3A_297 : vector<16xi32>
      tpu.vector_store_idx %arg10[%shift_right_logical3A_220, %add3A_298], %gather3A_295 : memref<256x128xf32, #tpu.memory_space<vmem>>[vector<16xi32>, vector<16xi32>], vector<16xf32>,
      %add3A_299 = arith.constant 10 : i32
      %add3A_300 = vector.broadcast %add3A_299 : i32 to vector<16xi32>
      %add3A_301 = arith.addi %mul3A_218, %add3A_300 : vector<16xi32>
      %gather3A_302 = tpu.vector_load_idx %arg9[%add3A_181, %add3A_301] : memref<512x128xf32, #tpu.memory_space<vmem>>[vector<16xi32>, vector<16xi32>], vector<16xf32>,
      %add3A_303 = arith.constant 10 : i32
      %add3A_304 = vector.broadcast %add3A_303 : i32 to vector<16xi32>
      %add3A_305 = arith.addi %add3A_229, %add3A_304 : vector<16xi32>
      tpu.vector_store_idx %arg10[%shift_right_logical3A_220, %add3A_305], %gather3A_302 : memref<256x128xf32, #tpu.memory_space<vmem>>[vector<16xi32>, vector<16xi32>], vector<16xf32>,
      %add3A_306 = arith.constant 11 : i32
      %add3A_307 = vector.broadcast %add3A_306 : i32 to vector<16xi32>
      %add3A_308 = arith.addi %mul3A_218, %add3A_307 : vector<16xi32>
      %gather3A_309 = tpu.vector_load_idx %arg9[%add3A_181, %add3A_308] : memref<512x128xf32, #tpu.memory_space<vmem>>[vector<16xi32>, vector<16xi32>], vector<16xf32>,
      %add3A_310 = arith.constant 11 : i32
      %add3A_311 = vector.broadcast %add3A_310 : i32 to vector<16xi32>
      %add3A_312 = arith.addi %add3A_229, %add3A_311 : vector<16xi32>
      tpu.vector_store_idx %arg10[%shift_right_logical3A_220, %add3A_312], %gather3A_309 : memref<256x128xf32, #tpu.memory_space<vmem>>[vector<16xi32>, vector<16xi32>], vector<16xf32>,
      %add3A_313 = arith.constant 12 : i32
      %add3A_314 = vector.broadcast %add3A_313 : i32 to vector<16xi32>
      %add3A_315 = arith.addi %mul3A_218, %add3A_314 : vector<16xi32>
      %gather3A_316 = tpu.vector_load_idx %arg9[%add3A_181, %add3A_315] : memref<512x128xf32, #tpu.memory_space<vmem>>[vector<16xi32>, vector<16xi32>], vector<16xf32>,
      %add3A_317 = arith.constant 12 : i32
      %add3A_318 = vector.broadcast %add3A_317 : i32 to vector<16xi32>
      %add3A_319 = arith.addi %add3A_229, %add3A_318 : vector<16xi32>
      tpu.vector_store_idx %arg10[%shift_right_logical3A_220, %add3A_319], %gather3A_316 : memref<256x128xf32, #tpu.memory_space<vmem>>[vector<16xi32>, vector<16xi32>], vector<16xf32>,
      %add3A_320 = arith.constant 13 : i32
      %add3A_321 = vector.broadcast %add3A_320 : i32 to vector<16xi32>
      %add3A_322 = arith.addi %mul3A_218, %add3A_321 : vector<16xi32>
      %gather3A_323 = tpu.vector_load_idx %arg9[%add3A_181, %add3A_322] : memref<512x128xf32, #tpu.memory_space<vmem>>[vector<16xi32>, vector<16xi32>], vector<16xf32>,
      %add3A_324 = arith.constant 13 : i32
      %add3A_325 = vector.broadcast %add3A_324 : i32 to vector<16xi32>
      %add3A_326 = arith.addi %add3A_229, %add3A_325 : vector<16xi32>
      tpu.vector_store_idx %arg10[%shift_right_logical3A_220, %add3A_326], %gather3A_323 : memref<256x128xf32, #tpu.memory_space<vmem>>[vector<16xi32>, vector<16xi32>], vector<16xf32>,
      %add3A_327 = arith.constant 14 : i32
      %add3A_328 = vector.broadcast %add3A_327 : i32 to vector<16xi32>
      %add3A_329 = arith.addi %mul3A_218, %add3A_328 : vector<16xi32>
      %gather3A_330 = tpu.vector_load_idx %arg9[%add3A_181, %add3A_329] : memref<512x128xf32, #tpu.memory_space<vmem>>[vector<16xi32>, vector<16xi32>], vector<16xf32>,
      %add3A_331 = arith.constant 14 : i32
      %add3A_332 = vector.broadcast %add3A_331 : i32 to vector<16xi32>
      %add3A_333 = arith.addi %add3A_229, %add3A_332 : vector<16xi32>
      tpu.vector_store_idx %arg10[%shift_right_logical3A_220, %add3A_333], %gather3A_330 : memref<256x128xf32, #tpu.memory_space<vmem>>[vector<16xi32>, vector<16xi32>], vector<16xf32>,
      %add3A_334 = arith.constant 15 : i32
      %add3A_335 = vector.broadcast %add3A_334 : i32 to vector<16xi32>
      %add3A_336 = arith.addi %mul3A_218, %add3A_335 : vector<16xi32>
      %gather3A_337 = tpu.vector_load_idx %arg9[%add3A_181, %add3A_336] : memref<512x128xf32, #tpu.memory_space<vmem>>[vector<16xi32>, vector<16xi32>], vector<16xf32>,
      %add3A_338 = arith.constant 15 : i32
      %add3A_339 = vector.broadcast %add3A_338 : i32 to vector<16xi32>
      %add3A_340 = arith.addi %add3A_229, %add3A_339 : vector<16xi32>
      tpu.vector_store_idx %arg10[%shift_right_logical3A_220, %add3A_340], %gather3A_337 : memref<256x128xf32, #tpu.memory_space<vmem>>[vector<16xi32>, vector<16xi32>], vector<16xf32>,
      %add3A_341 = arith.constant 16 : i32
      %add3A_342 = vector.broadcast %add3A_341 : i32 to vector<16xi32>
      %add3A_343 = arith.addi %mul3A_218, %add3A_342 : vector<16xi32>
      %gather3A_344 = tpu.vector_load_idx %arg9[%add3A_181, %add3A_343] : memref<512x128xf32, #tpu.memory_space<vmem>>[vector<16xi32>, vector<16xi32>], vector<16xf32>,
      %add3A_345 = arith.constant 16 : i32
      %add3A_346 = vector.broadcast %add3A_345 : i32 to vector<16xi32>
      %add3A_347 = arith.addi %add3A_229, %add3A_346 : vector<16xi32>
      tpu.vector_store_idx %arg10[%shift_right_logical3A_220, %add3A_347], %gather3A_344 : memref<256x128xf32, #tpu.memory_space<vmem>>[vector<16xi32>, vector<16xi32>], vector<16xf32>,
      %add3A_348 = arith.constant 17 : i32
      %add3A_349 = vector.broadcast %add3A_348 : i32 to vector<16xi32>
      %add3A_350 = arith.addi %mul3A_218, %add3A_349 : vector<16xi32>
      %gather3A_351 = tpu.vector_load_idx %arg9[%add3A_181, %add3A_350] : memref<512x128xf32, #tpu.memory_space<vmem>>[vector<16xi32>, vector<16xi32>], vector<16xf32>,
      %add3A_352 = arith.constant 17 : i32
      %add3A_353 = vector.broadcast %add3A_352 : i32 to vector<16xi32>
      %add3A_354 = arith.addi %add3A_229, %add3A_353 : vector<16xi32>
      tpu.vector_store_idx %arg10[%shift_right_logical3A_220, %add3A_354], %gather3A_351 : memref<256x128xf32, #tpu.memory_space<vmem>>[vector<16xi32>, vector<16xi32>], vector<16xf32>,
      %add3A_355 = arith.constant 18 : i32
      %add3A_356 = vector.broadcast %add3A_355 : i32 to vector<16xi32>
      %add3A_357 = arith.addi %mul3A_218, %add3A_356 : vector<16xi32>
      %gather3A_358 = tpu.vector_load_idx %arg9[%add3A_181, %add3A_357] : memref<512x128xf32, #tpu.memory_space<vmem>>[vector<16xi32>, vector<16xi32>], vector<16xf32>,
      %add3A_359 = arith.constant 18 : i32
      %add3A_360 = vector.broadcast %add3A_359 : i32 to vector<16xi32>
      %add3A_361 = arith.addi %add3A_229, %add3A_360 : vector<16xi32>
      tpu.vector_store_idx %arg10[%shift_right_logical3A_220, %add3A_361], %gather3A_358 : memref<256x128xf32, #tpu.memory_space<vmem>>[vector<16xi32>, vector<16xi32>], vector<16xf32>,
      %add3A_362 = arith.constant 19 : i32
      %add3A_363 = vector.broadcast %add3A_362 : i32 to vector<16xi32>
      %add3A_364 = arith.addi %mul3A_218, %add3A_363 : vector<16xi32>
      %gather3A_365 = tpu.vector_load_idx %arg9[%add3A_181, %add3A_364] : memref<512x128xf32, #tpu.memory_space<vmem>>[vector<16xi32>, vector<16xi32>], vector<16xf32>,
      %add3A_366 = arith.constant 19 : i32
      %add3A_367 = vector.broadcast %add3A_366 : i32 to vector<16xi32>
      %add3A_368 = arith.addi %add3A_229, %add3A_367 : vector<16xi32>
      tpu.vector_store_idx %arg10[%shift_right_logical3A_220, %add3A_368], %gather3A_365 : memref<256x128xf32, #tpu.memory_space<vmem>>[vector<16xi32>, vector<16xi32>], vector<16xf32>,
      %add3A_369 = arith.constant 20 : i32
      %add3A_370 = vector.broadcast %add3A_369 : i32 to vector<16xi32>
      %add3A_371 = arith.addi %mul3A_218, %add3A_370 : vector<16xi32>
      %gather3A_372 = tpu.vector_load_idx %arg9[%add3A_181, %add3A_371] : memref<512x128xf32, #tpu.memory_space<vmem>>[vector<16xi32>, vector<16xi32>], vector<16xf32>,
      %add3A_373 = arith.constant 20 : i32
      %add3A_374 = vector.broadcast %add3A_373 : i32 to vector<16xi32>
      %add3A_375 = arith.addi %add3A_229, %add3A_374 : vector<16xi32>
      tpu.vector_store_idx %arg10[%shift_right_logical3A_220, %add3A_375], %gather3A_372 : memref<256x128xf32, #tpu.memory_space<vmem>>[vector<16xi32>, vector<16xi32>], vector<16xf32>,
      %add3A_376 = arith.constant 21 : i32
      %add3A_377 = vector.broadcast %add3A_376 : i32 to vector<16xi32>
      %add3A_378 = arith.addi %mul3A_218, %add3A_377 : vector<16xi32>
      %gather3A_379 = tpu.vector_load_idx %arg9[%add3A_181, %add3A_378] : memref<512x128xf32, #tpu.memory_space<vmem>>[vector<16xi32>, vector<16xi32>], vector<16xf32>,
      %add3A_380 = arith.constant 21 : i32
      %add3A_381 = vector.broadcast %add3A_380 : i32 to vector<16xi32>
      %add3A_382 = arith.addi %add3A_229, %add3A_381 : vector<16xi32>
      tpu.vector_store_idx %arg10[%shift_right_logical3A_220, %add3A_382], %gather3A_379 : memref<256x128xf32, #tpu.memory_space<vmem>>[vector<16xi32>, vector<16xi32>], vector<16xf32>,
      %add3A_383 = arith.constant 22 : i32
      %add3A_384 = vector.broadcast %add3A_383 : i32 to vector<16xi32>
      %add3A_385 = arith.addi %mul3A_218, %add3A_384 : vector<16xi32>
      %gather3A_386 = tpu.vector_load_idx %arg9[%add3A_181, %add3A_385] : memref<512x128xf32, #tpu.memory_space<vmem>>[vector<16xi32>, vector<16xi32>], vector<16xf32>,
      %add3A_387 = arith.constant 22 : i32
      %add3A_388 = vector.broadcast %add3A_387 : i32 to vector<16xi32>
      %add3A_389 = arith.addi %add3A_229, %add3A_388 : vector<16xi32>
      tpu.vector_store_idx %arg10[%shift_right_logical3A_220, %add3A_389], %gather3A_386 : memref<256x128xf32, #tpu.memory_space<vmem>>[vector<16xi32>, vector<16xi32>], vector<16xf32>,
      %add3A_390 = arith.constant 23 : i32
      %add3A_391 = vector.broadcast %add3A_390 : i32 to vector<16xi32>
      %add3A_392 = arith.addi %mul3A_218, %add3A_391 : vector<16xi32>
      %gather3A_393 = tpu.vector_load_idx %arg9[%add3A_181, %add3A_392] : memref<512x128xf32, #tpu.memory_space<vmem>>[vector<16xi32>, vector<16xi32>], vector<16xf32>,
      %add3A_394 = arith.constant 23 : i32
      %add3A_395 = vector.broadcast %add3A_394 : i32 to vector<16xi32>
      %add3A_396 = arith.addi %add3A_229, %add3A_395 : vector<16xi32>
      tpu.vector_store_idx %arg10[%shift_right_logical3A_220, %add3A_396], %gather3A_393 : memref<256x128xf32, #tpu.memory_space<vmem>>[vector<16xi32>, vector<16xi32>], vector<16xf32>,
      %add3A_397 = arith.constant 24 : i32
      %add3A_398 = vector.broadcast %add3A_397 : i32 to vector<16xi32>
      %add3A_399 = arith.addi %mul3A_218, %add3A_398 : vector<16xi32>
      %gather3A_400 = tpu.vector_load_idx %arg9[%add3A_181, %add3A_399] : memref<512x128xf32, #tpu.memory_space<vmem>>[vector<16xi32>, vector<16xi32>], vector<16xf32>,
      %add3A_401 = arith.constant 24 : i32
      %add3A_402 = vector.broadcast %add3A_401 : i32 to vector<16xi32>
      %add3A_403 = arith.addi %add3A_229, %add3A_402 : vector<16xi32>
      tpu.vector_store_idx %arg10[%shift_right_logical3A_220, %add3A_403], %gather3A_400 : memref<256x128xf32, #tpu.memory_space<vmem>>[vector<16xi32>, vector<16xi32>], vector<16xf32>,
      %add3A_404 = arith.constant 25 : i32
      %add3A_405 = vector.broadcast %add3A_404 : i32 to vector<16xi32>
      %add3A_406 = arith.addi %mul3A_218, %add3A_405 : vector<16xi32>
      %gather3A_407 = tpu.vector_load_idx %arg9[%add3A_181, %add3A_406] : memref<512x128xf32, #tpu.memory_space<vmem>>[vector<16xi32>, vector<16xi32>], vector<16xf32>,
      %add3A_408 = arith.constant 25 : i32
      %add3A_409 = vector.broadcast %add3A_408 : i32 to vector<16xi32>
      %add3A_410 = arith.addi %add3A_229, %add3A_409 : vector<16xi32>
      tpu.vector_store_idx %arg10[%shift_right_logical3A_220, %add3A_410], %gather3A_407 : memref<256x128xf32, #tpu.memory_space<vmem>>[vector<16xi32>, vector<16xi32>], vector<16xf32>,
      %add3A_411 = arith.constant 26 : i32
      %add3A_412 = vector.broadcast %add3A_411 : i32 to vector<16xi32>
      %add3A_413 = arith.addi %mul3A_218, %add3A_412 : vector<16xi32>
      %gather3A_414 = tpu.vector_load_idx %arg9[%add3A_181, %add3A_413] : memref<512x128xf32, #tpu.memory_space<vmem>>[vector<16xi32>, vector<16xi32>], vector<16xf32>,
      %add3A_415 = arith.constant 26 : i32
      %add3A_416 = vector.broadcast %add3A_415 : i32 to vector<16xi32>
      %add3A_417 = arith.addi %add3A_229, %add3A_416 : vector<16xi32>
      tpu.vector_store_idx %arg10[%shift_right_logical3A_220, %add3A_417], %gather3A_414 : memref<256x128xf32, #tpu.memory_space<vmem>>[vector<16xi32>, vector<16xi32>], vector<16xf32>,
      %add3A_418 = arith.constant 27 : i32
      %add3A_419 = vector.broadcast %add3A_418 : i32 to vector<16xi32>
      %add3A_420 = arith.addi %mul3A_218, %add3A_419 : vector<16xi32>
      %gather3A_421 = tpu.vector_load_idx %arg9[%add3A_181, %add3A_420] : memref<512x128xf32, #tpu.memory_space<vmem>>[vector<16xi32>, vector<16xi32>], vector<16xf32>,
      %add3A_422 = arith.constant 27 : i32
      %add3A_423 = vector.broadcast %add3A_422 : i32 to vector<16xi32>
      %add3A_424 = arith.addi %add3A_229, %add3A_423 : vector<16xi32>
      tpu.vector_store_idx %arg10[%shift_right_logical3A_220, %add3A_424], %gather3A_421 : memref<256x128xf32, #tpu.memory_space<vmem>>[vector<16xi32>, vector<16xi32>], vector<16xf32>,
      %add3A_425 = arith.constant 28 : i32
      %add3A_426 = vector.broadcast %add3A_425 : i32 to vector<16xi32>
      %add3A_427 = arith.addi %mul3A_218, %add3A_426 : vector<16xi32>
      %gather3A_428 = tpu.vector_load_idx %arg9[%add3A_181, %add3A_427] : memref<512x128xf32, #tpu.memory_space<vmem>>[vector<16xi32>, vector<16xi32>], vector<16xf32>,
      %add3A_429 = arith.constant 28 : i32
      %add3A_430 = vector.broadcast %add3A_429 : i32 to vector<16xi32>
      %add3A_431 = arith.addi %add3A_229, %add3A_430 : vector<16xi32>
      tpu.vector_store_idx %arg10[%shift_right_logical3A_220, %add3A_431], %gather3A_428 : memref<256x128xf32, #tpu.memory_space<vmem>>[vector<16xi32>, vector<16xi32>], vector<16xf32>,
      %add3A_432 = arith.constant 29 : i32
      %add3A_433 = vector.broadcast %add3A_432 : i32 to vector<16xi32>
      %add3A_434 = arith.addi %mul3A_218, %add3A_433 : vector<16xi32>
      %gather3A_435 = tpu.vector_load_idx %arg9[%add3A_181, %add3A_434] : memref<512x128xf32, #tpu.memory_space<vmem>>[vector<16xi32>, vector<16xi32>], vector<16xf32>,
      %add3A_436 = arith.constant 29 : i32
      %add3A_437 = vector.broadcast %add3A_436 : i32 to vector<16xi32>
      %add3A_438 = arith.addi %add3A_229, %add3A_437 : vector<16xi32>
      tpu.vector_store_idx %arg10[%shift_right_logical3A_220, %add3A_438], %gather3A_435 : memref<256x128xf32, #tpu.memory_space<vmem>>[vector<16xi32>, vector<16xi32>], vector<16xf32>,
      %add3A_439 = arith.constant 30 : i32
      %add3A_440 = vector.broadcast %add3A_439 : i32 to vector<16xi32>
      %add3A_441 = arith.addi %mul3A_218, %add3A_440 : vector<16xi32>
      %gather3A_442 = tpu.vector_load_idx %arg9[%add3A_181, %add3A_441] : memref<512x128xf32, #tpu.memory_space<vmem>>[vector<16xi32>, vector<16xi32>], vector<16xf32>,
      %add3A_443 = arith.constant 30 : i32
      %add3A_444 = vector.broadcast %add3A_443 : i32 to vector<16xi32>
      %add3A_445 = arith.addi %add3A_229, %add3A_444 : vector<16xi32>
      tpu.vector_store_idx %arg10[%shift_right_logical3A_220, %add3A_445], %gather3A_442 : memref<256x128xf32, #tpu.memory_space<vmem>>[vector<16xi32>, vector<16xi32>], vector<16xf32>,
      %add3A_446 = arith.constant 31 : i32
      %add3A_447 = vector.broadcast %add3A_446 : i32 to vector<16xi32>
      %add3A_448 = arith.addi %mul3A_218, %add3A_447 : vector<16xi32>
      %gather3A_449 = tpu.vector_load_idx %arg9[%add3A_181, %add3A_448] : memref<512x128xf32, #tpu.memory_space<vmem>>[vector<16xi32>, vector<16xi32>], vector<16xf32>,
      %add3A_450 = arith.constant 31 : i32
      %add3A_451 = vector.broadcast %add3A_450 : i32 to vector<16xi32>
      %add3A_452 = arith.addi %add3A_229, %add3A_451 : vector<16xi32>
      tpu.vector_store_idx %arg10[%shift_right_logical3A_220, %add3A_452], %gather3A_449 : memref<256x128xf32, #tpu.memory_space<vmem>>[vector<16xi32>, vector<16xi32>], vector<16xf32>,
    }
    %scan3A_86 = arith.constant 32 : i32
    %mul3A_87 = arith.constant 4 : i32
    %mul3A_88 = arith.muli %add3A, %mul3A_87 : i32
    %add3A_89 = arith.constant 128 : i32
    %add3A_90 = arith.addi %add3A_89, %mul3A_88 : i32
    "tpu.region"() ({
      %run_scoped3A = tpu.sem_alloc : memref<!tpu.dma_semaphore, #tpu.memory_space<semaphore_mem>>
      %dma_start3A_178 = arith.constant 0 : i32
      %dma_start3A_179 = tpu.memref_slice %arg2[%add3A_90, %dma_start3A_178] : memref<256x128xi32, #tpu.memory_space<hbm>> -> memref<4x128xi32, #tpu.memory_space<hbm>>
      %dma_start3A_180 = arith.constant 0 : i32
      %dma_start3A_181 = tpu.memref_slice %arg2[%add3A_90, %dma_start3A_180] : memref<256x128xi32, #tpu.memory_space<hbm>> -> memref<4x128xi32, #tpu.memory_space<hbm>>
      tpu.enqueue_dma source(%dma_start3A_181 : memref<4x128xi32, #tpu.memory_space<hbm>>) target(%arg7 : memref<4x128xi32, #tpu.memory_space<vmem>>) target_semaphore(%run_scoped3A : memref<!tpu.dma_semaphore, #tpu.memory_space<semaphore_mem>>)
      %dma_wait3A_182 = arith.constant 0 : i32
      %dma_wait3A_183 = tpu.memref_slice %arg2[%add3A_90, %dma_wait3A_182] : memref<256x128xi32, #tpu.memory_space<hbm>> -> memref<4x128xi32, #tpu.memory_space<hbm>>
      %dma_wait3A_184 = arith.constant 0 : i32
      %dma_wait3A_185 = tpu.memref_slice %arg2[%add3A_90, %dma_wait3A_184] : memref<256x128xi32, #tpu.memory_space<hbm>> -> memref<4x128xi32, #tpu.memory_space<hbm>>
      tpu.wait_dma2 semaphore(%run_scoped3A : memref<!tpu.dma_semaphore, #tpu.memory_space<semaphore_mem>>) src(%dma_wait3A_185 : memref<4x128xi32, #tpu.memory_space<hbm>>) dst(%arg7 : memref<4x128xi32, #tpu.memory_space<vmem>>)
      tpu.yield
    }) : () -> ()
    "tpu.region"() ({
      %run_scoped3A = tpu.sem_alloc : memref<!tpu.dma_semaphore, #tpu.memory_space<semaphore_mem>>
      %dma_start3A_178 = arith.constant 0 : i32
      %dma_start3A_179 = tpu.memref_slice %arg3[%add3A_90, %dma_start3A_178] : memref<256x128xi32, #tpu.memory_space<hbm>> -> memref<4x128xi32, #tpu.memory_space<hbm>>
      %dma_start3A_180 = arith.constant 0 : i32
      %dma_start3A_181 = tpu.memref_slice %arg3[%add3A_90, %dma_start3A_180] : memref<256x128xi32, #tpu.memory_space<hbm>> -> memref<4x128xi32, #tpu.memory_space<hbm>>
      tpu.enqueue_dma source(%dma_start3A_181 : memref<4x128xi32, #tpu.memory_space<hbm>>) target(%arg8 : memref<4x128xi32, #tpu.memory_space<vmem>>) target_semaphore(%run_scoped3A : memref<!tpu.dma_semaphore, #tpu.memory_space<semaphore_mem>>)
      %dma_wait3A_182 = arith.constant 0 : i32
      %dma_wait3A_183 = tpu.memref_slice %arg3[%add3A_90, %dma_wait3A_182] : memref<256x128xi32, #tpu.memory_space<hbm>> -> memref<4x128xi32, #tpu.memory_space<hbm>>
      %dma_wait3A_184 = arith.constant 0 : i32
      %dma_wait3A_185 = tpu.memref_slice %arg3[%add3A_90, %dma_wait3A_184] : memref<256x128xi32, #tpu.memory_space<hbm>> -> memref<4x128xi32, #tpu.memory_space<hbm>>
      tpu.wait_dma2 semaphore(%run_scoped3A : memref<!tpu.dma_semaphore, #tpu.memory_space<semaphore_mem>>) src(%dma_wait3A_185 : memref<4x128xi32, #tpu.memory_space<hbm>>) dst(%arg8 : memref<4x128xi32, #tpu.memory_space<vmem>>)
      tpu.yield
    }) : () -> ()
    %dma_start3A_91 = arith.constant 0 : i32
    %dma_start3A_92 = arith.constant 0 : i32
    %dma_start3A_93 = arith.constant 0 : i32
    %dma_start3A_94 = tpu.memref_slice %arg9[%dma_start3A_92, %dma_start3A_93] : memref<512x128xf32, #tpu.memory_space<vmem>> -> memref<128x128xf32, #tpu.memory_space<vmem>>
    %dma_start3A_95 = arith.constant 0 : i32
    %dma_start3A_96 = tpu.memref_slice %arg7[%dma_start3A_91, %dma_start3A_95] : memref<4x128xi32, #tpu.memory_space<vmem>> -> memref<1x128xi32, #tpu.memory_space<vmem>>
    %dma_start3A_97 = tpu.memref_squeeze %dma_start3A_96 : memref<1x128xi32, #tpu.memory_space<vmem>> -> memref<128xi32, #tpu.memory_space<vmem>>
    %dma_start3A_98 = arith.constant 0 : i32
    %dma_start3A_99 = arith.constant 0 : i32
    %dma_start3A_100 = tpu.memref_slice %arg5[%dma_start3A_98, %dma_start3A_99] : memref<253952x128xf32, #tpu.memory_space<hbm>> -> memref<253952x128xf32, #tpu.memory_space<hbm>>
    tpu.enqueue_indirect_dma source(%dma_start3A_100 : memref<253952x128xf32, #tpu.memory_space<hbm>>) target(%dma_start3A_94 : memref<128x128xf32, #tpu.memory_space<vmem>>) offsets(%dma_start3A_97 : memref<128xi32, #tpu.memory_space<vmem>>) semaphore(%arg11 : memref<!tpu.dma_semaphore, #tpu.memory_space<semaphore_mem>>)
    %dma_start3A_101 = arith.constant 1 : i32
    %dma_start3A_102 = arith.constant 128 : i32
    %dma_start3A_103 = arith.constant 0 : i32
    %dma_start3A_104 = tpu.memref_slice %arg9[%dma_start3A_102, %dma_start3A_103] : memref<512x128xf32, #tpu.memory_space<vmem>> -> memref<128x128xf32, #tpu.memory_space<vmem>>
    %dma_start3A_105 = arith.constant 0 : i32
    %dma_start3A_106 = tpu.memref_slice %arg7[%dma_start3A_101, %dma_start3A_105] : memref<4x128xi32, #tpu.memory_space<vmem>> -> memref<1x128xi32, #tpu.memory_space<vmem>>
    %dma_start3A_107 = tpu.memref_squeeze %dma_start3A_106 : memref<1x128xi32, #tpu.memory_space<vmem>> -> memref<128xi32, #tpu.memory_space<vmem>>
    %dma_start3A_108 = arith.constant 0 : i32
    %dma_start3A_109 = arith.constant 0 : i32
    %dma_start3A_110 = tpu.memref_slice %arg5[%dma_start3A_108, %dma_start3A_109] : memref<253952x128xf32, #tpu.memory_space<hbm>> -> memref<253952x128xf32, #tpu.memory_space<hbm>>
    tpu.enqueue_indirect_dma source(%dma_start3A_110 : memref<253952x128xf32, #tpu.memory_space<hbm>>) target(%dma_start3A_104 : memref<128x128xf32, #tpu.memory_space<vmem>>) offsets(%dma_start3A_107 : memref<128xi32, #tpu.memory_space<vmem>>) semaphore(%arg11 : memref<!tpu.dma_semaphore, #tpu.memory_space<semaphore_mem>>)
    %dma_start3A_111 = arith.constant 2 : i32
    %dma_start3A_112 = arith.constant 256 : i32
    %dma_start3A_113 = arith.constant 0 : i32
    %dma_start3A_114 = tpu.memref_slice %arg9[%dma_start3A_112, %dma_start3A_113] : memref<512x128xf32, #tpu.memory_space<vmem>> -> memref<128x128xf32, #tpu.memory_space<vmem>>
    %dma_start3A_115 = arith.constant 0 : i32
    %dma_start3A_116 = tpu.memref_slice %arg7[%dma_start3A_111, %dma_start3A_115] : memref<4x128xi32, #tpu.memory_space<vmem>> -> memref<1x128xi32, #tpu.memory_space<vmem>>
    %dma_start3A_117 = tpu.memref_squeeze %dma_start3A_116 : memref<1x128xi32, #tpu.memory_space<vmem>> -> memref<128xi32, #tpu.memory_space<vmem>>
    %dma_start3A_118 = arith.constant 0 : i32
    %dma_start3A_119 = arith.constant 0 : i32
    %dma_start3A_120 = tpu.memref_slice %arg5[%dma_start3A_118, %dma_start3A_119] : memref<253952x128xf32, #tpu.memory_space<hbm>> -> memref<253952x128xf32, #tpu.memory_space<hbm>>
    tpu.enqueue_indirect_dma source(%dma_start3A_120 : memref<253952x128xf32, #tpu.memory_space<hbm>>) target(%dma_start3A_114 : memref<128x128xf32, #tpu.memory_space<vmem>>) offsets(%dma_start3A_117 : memref<128xi32, #tpu.memory_space<vmem>>) semaphore(%arg11 : memref<!tpu.dma_semaphore, #tpu.memory_space<semaphore_mem>>)
    %dma_start3A_121 = arith.constant 3 : i32
    %dma_start3A_122 = arith.constant 384 : i32
    %dma_start3A_123 = arith.constant 0 : i32
    %dma_start3A_124 = tpu.memref_slice %arg9[%dma_start3A_122, %dma_start3A_123] : memref<512x128xf32, #tpu.memory_space<vmem>> -> memref<128x128xf32, #tpu.memory_space<vmem>>
    %dma_start3A_125 = arith.constant 0 : i32
    %dma_start3A_126 = tpu.memref_slice %arg7[%dma_start3A_121, %dma_start3A_125] : memref<4x128xi32, #tpu.memory_space<vmem>> -> memref<1x128xi32, #tpu.memory_space<vmem>>
    %dma_start3A_127 = tpu.memref_squeeze %dma_start3A_126 : memref<1x128xi32, #tpu.memory_space<vmem>> -> memref<128xi32, #tpu.memory_space<vmem>>
    %dma_start3A_128 = arith.constant 0 : i32
    %dma_start3A_129 = arith.constant 0 : i32
    %dma_start3A_130 = tpu.memref_slice %arg5[%dma_start3A_128, %dma_start3A_129] : memref<253952x128xf32, #tpu.memory_space<hbm>> -> memref<253952x128xf32, #tpu.memory_space<hbm>>
    tpu.enqueue_indirect_dma source(%dma_start3A_130 : memref<253952x128xf32, #tpu.memory_space<hbm>>) target(%dma_start3A_124 : memref<128x128xf32, #tpu.memory_space<vmem>>) offsets(%dma_start3A_127 : memref<128xi32, #tpu.memory_space<vmem>>) semaphore(%arg11 : memref<!tpu.dma_semaphore, #tpu.memory_space<semaphore_mem>>)
    %dma_wait3A_131 = arith.constant 0 : i32
    %dma_wait3A_132 = arith.constant 0 : i32
    %dma_wait3A_133 = arith.constant 0 : i32
    %dma_wait3A_134 = tpu.memref_slice %arg9[%dma_wait3A_132, %dma_wait3A_133] : memref<512x128xf32, #tpu.memory_space<vmem>> -> memref<128x128xf32, #tpu.memory_space<vmem>>
    %dma_wait3A_135 = arith.constant 0 : i32
    %dma_wait3A_136 = tpu.memref_slice %arg7[%dma_wait3A_131, %dma_wait3A_135] : memref<4x128xi32, #tpu.memory_space<vmem>> -> memref<1x128xi32, #tpu.memory_space<vmem>>
    %dma_wait3A_137 = tpu.memref_squeeze %dma_wait3A_136 : memref<1x128xi32, #tpu.memory_space<vmem>> -> memref<128xi32, #tpu.memory_space<vmem>>
    %dma_wait3A_138 = arith.constant 0 : i32
    %dma_wait3A_139 = arith.constant 0 : i32
    %dma_wait3A_140 = tpu.memref_slice %arg5[%dma_wait3A_138, %dma_wait3A_139] : memref<253952x128xf32, #tpu.memory_space<hbm>> -> memref<253952x128xf32, #tpu.memory_space<hbm>>
    tpu.wait_indirect_dma semaphore(%arg11 : memref<!tpu.dma_semaphore, #tpu.memory_space<semaphore_mem>>) src(%dma_wait3A_140 : memref<253952x128xf32, #tpu.memory_space<hbm>>) dst(%dma_wait3A_134 : memref<128x128xf32, #tpu.memory_space<vmem>>)
    %dma_wait3A_141 = arith.constant 1 : i32
    %dma_wait3A_142 = arith.constant 128 : i32
    %dma_wait3A_143 = arith.constant 0 : i32
    %dma_wait3A_144 = tpu.memref_slice %arg9[%dma_wait3A_142, %dma_wait3A_143] : memref<512x128xf32, #tpu.memory_space<vmem>> -> memref<128x128xf32, #tpu.memory_space<vmem>>
    %dma_wait3A_145 = arith.constant 0 : i32
    %dma_wait3A_146 = tpu.memref_slice %arg7[%dma_wait3A_141, %dma_wait3A_145] : memref<4x128xi32, #tpu.memory_space<vmem>> -> memref<1x128xi32, #tpu.memory_space<vmem>>
    %dma_wait3A_147 = tpu.memref_squeeze %dma_wait3A_146 : memref<1x128xi32, #tpu.memory_space<vmem>> -> memref<128xi32, #tpu.memory_space<vmem>>
    %dma_wait3A_148 = arith.constant 0 : i32
    %dma_wait3A_149 = arith.constant 0 : i32
    %dma_wait3A_150 = tpu.memref_slice %arg5[%dma_wait3A_148, %dma_wait3A_149] : memref<253952x128xf32, #tpu.memory_space<hbm>> -> memref<253952x128xf32, #tpu.memory_space<hbm>>
    tpu.wait_indirect_dma semaphore(%arg11 : memref<!tpu.dma_semaphore, #tpu.memory_space<semaphore_mem>>) src(%dma_wait3A_150 : memref<253952x128xf32, #tpu.memory_space<hbm>>) dst(%dma_wait3A_144 : memref<128x128xf32, #tpu.memory_space<vmem>>)
    %dma_wait3A_151 = arith.constant 2 : i32
    %dma_wait3A_152 = arith.constant 256 : i32
    %dma_wait3A_153 = arith.constant 0 : i32
    %dma_wait3A_154 = tpu.memref_slice %arg9[%dma_wait3A_152, %dma_wait3A_153] : memref<512x128xf32, #tpu.memory_space<vmem>> -> memref<128x128xf32, #tpu.memory_space<vmem>>
    %dma_wait3A_155 = arith.constant 0 : i32
    %dma_wait3A_156 = tpu.memref_slice %arg7[%dma_wait3A_151, %dma_wait3A_155] : memref<4x128xi32, #tpu.memory_space<vmem>> -> memref<1x128xi32, #tpu.memory_space<vmem>>
    %dma_wait3A_157 = tpu.memref_squeeze %dma_wait3A_156 : memref<1x128xi32, #tpu.memory_space<vmem>> -> memref<128xi32, #tpu.memory_space<vmem>>
    %dma_wait3A_158 = arith.constant 0 : i32
    %dma_wait3A_159 = arith.constant 0 : i32
    %dma_wait3A_160 = tpu.memref_slice %arg5[%dma_wait3A_158, %dma_wait3A_159] : memref<253952x128xf32, #tpu.memory_space<hbm>> -> memref<253952x128xf32, #tpu.memory_space<hbm>>
    tpu.wait_indirect_dma semaphore(%arg11 : memref<!tpu.dma_semaphore, #tpu.memory_space<semaphore_mem>>) src(%dma_wait3A_160 : memref<253952x128xf32, #tpu.memory_space<hbm>>) dst(%dma_wait3A_154 : memref<128x128xf32, #tpu.memory_space<vmem>>)
    %dma_wait3A_161 = arith.constant 3 : i32
    %dma_wait3A_162 = arith.constant 384 : i32
    %dma_wait3A_163 = arith.constant 0 : i32
    %dma_wait3A_164 = tpu.memref_slice %arg9[%dma_wait3A_162, %dma_wait3A_163] : memref<512x128xf32, #tpu.memory_space<vmem>> -> memref<128x128xf32, #tpu.memory_space<vmem>>
    %dma_wait3A_165 = arith.constant 0 : i32
    %dma_wait3A_166 = tpu.memref_slice %arg7[%dma_wait3A_161, %dma_wait3A_165] : memref<4x128xi32, #tpu.memory_space<vmem>> -> memref<1x128xi32, #tpu.memory_space<vmem>>
    %dma_wait3A_167 = tpu.memref_squeeze %dma_wait3A_166 : memref<1x128xi32, #tpu.memory_space<vmem>> -> memref<128xi32, #tpu.memory_space<vmem>>
    %dma_wait3A_168 = arith.constant 0 : i32
    %dma_wait3A_169 = arith.constant 0 : i32
    %dma_wait3A_170 = tpu.memref_slice %arg5[%dma_wait3A_168, %dma_wait3A_169] : memref<253952x128xf32, #tpu.memory_space<hbm>> -> memref<253952x128xf32, #tpu.memory_space<hbm>>
    tpu.wait_indirect_dma semaphore(%arg11 : memref<!tpu.dma_semaphore, #tpu.memory_space<semaphore_mem>>) src(%dma_wait3A_170 : memref<253952x128xf32, #tpu.memory_space<hbm>>) dst(%dma_wait3A_164 : memref<128x128xf32, #tpu.memory_space<vmem>>)
    %scan3A_171 = arith.constant 0 : i32
    %scan3A_172 = arith.constant 32 : i32
    %scan3A_173 = arith.addi %scan3A_171, %scan3A_172 : i32
    %scan3A_174 = arith.constant 1 : i32
    scf.for %scan3A_178 = %scan3A_171 to %scan3A_173 step %scan3A_174  : i32 {
      %mul3A_179 = arith.constant 16 : i32
      %mul3A_180 = arith.muli %scan3A_178, %mul3A_179 : i32
      %broadcast_in_dim3A = vector.broadcast %mul3A_180 : i32 to vector<16xi32>
      %iota3A = tpu.iota {dimensions = array<i32: 0>} : vector<16xi32>
      %add3A_181 = arith.addi %broadcast_in_dim3A, %iota3A : vector<16xi32>
      %jit3A = arith.constant 8 : i32
      %div3A = arith.divsi %scan3A_178, %jit3A : i32
      %sign3A = arith.constant 0 : i32
      %sign3A_182 = arith.cmpi sgt, %scan3A_178, %sign3A : i32
      %sign3A_183 = arith.extui %sign3A_182 : i1 to i32
      %sign3A_184 = arith.constant 0 : i32
      %sign3A_185 = arith.cmpi slt, %scan3A_178, %sign3A_184 : i32
      %sign3A_186 = arith.extui %sign3A_185 : i1 to i32
      %sign3A_187 = arith.subi %sign3A_183, %sign3A_186 : i32
      %sign3A_188 = arith.constant 0 : i32
      %sign3A_189 = arith.cmpi sgt, %jit3A, %sign3A_188 : i32
      %sign3A_190 = arith.extui %sign3A_189 : i1 to i32
      %sign3A_191 = arith.constant 0 : i32
      %sign3A_192 = arith.cmpi slt, %jit3A, %sign3A_191 : i32
      %sign3A_193 = arith.extui %sign3A_192 : i1 to i32
      %sign3A_194 = arith.subi %sign3A_190, %sign3A_193 : i32
      %ne3A = arith.cmpi ne, %sign3A_187, %sign3A_194 : i32
      %rem3A = arith.remsi %scan3A_178, %jit3A : i32
      %ne3A_195 = arith.constant 0 : i32
      %ne3A_196 = arith.cmpi ne, %rem3A, %ne3A_195 : i32
      %and3A = arith.andi %ne3A, %ne3A_196 : i1
      %sub3A = arith.constant 1 : i32
      %sub3A_197 = arith.subi %div3A, %sub3A : i32
      %select_n3A = arith.select %and3A, %sub3A_197, %div3A : i32
      %jit3A_198 = arith.constant 8 : i32
      %eq3A = arith.constant 0 : i32
      %eq3A_199 = arith.cmpi eq, %jit3A_198, %eq3A : i32
      %jit3A_200 = arith.constant 1 : i32
      %select_n3A_201 = arith.select %eq3A_199, %jit3A_200, %jit3A_198 : i32
      %rem3A_202 = arith.remsi %scan3A_178, %select_n3A_201 : i32
      %ne3A_203 = arith.constant 0 : i32
      %ne3A_204 = arith.cmpi ne, %rem3A_202, %ne3A_203 : i32
      %lt3A = arith.constant 0 : i32
      %lt3A_205 = arith.cmpi slt, %rem3A_202, %lt3A : i32
      %lt3A_206 = arith.constant 0 : i32
      %lt3A_207 = arith.cmpi slt, %select_n3A_201, %lt3A_206 : i32
      %ne3A_208 = arith.xori %lt3A_205, %lt3A_207 : i1
      %and3A_209 = arith.andi %ne3A_208, %ne3A_204 : i1
      %add3A_210 = arith.addi %rem3A_202, %select_n3A_201 : i32
      %select_n3A_211 = arith.select %and3A_209, %add3A_210, %rem3A_202 : i32
      %mul3A_212 = arith.constant 16 : i32
      %mul3A_213 = arith.muli %select_n3A_211, %mul3A_212 : i32
      %get3A = arith.index_cast %select_n3A : i32 to index
      %get3A_214 = arith.index_cast %mul3A_213 : i32 to index
      %get3A_215 = tpu.vector_load %arg8[%get3A, %get3A_214] {strides = array<i32>} : memref<4x128xi32, #tpu.memory_space<vmem>>, vector<16xi32>,
      %mul3A_216 = arith.constant 32 : i32
      %mul3A_217 = vector.broadcast %mul3A_216 : i32 to vector<16xi32>
      %mul3A_218 = arith.muli %get3A_215, %mul3A_217 : vector<16xi32>
      %shift_right_logical3A = arith.constant 1 : i32
      %shift_right_logical3A_219 = vector.broadcast %shift_right_logical3A : i32 to vector<16xi32>
      %shift_right_logical3A_220 = arith.shrui %add3A_181, %shift_right_logical3A_219 : vector<16xi32>
      %and3A_221 = arith.constant 1 : i32
      %and3A_222 = vector.broadcast %and3A_221 : i32 to vector<16xi32>
      %and3A_223 = arith.andi %add3A_181, %and3A_222 : vector<16xi32>
      %mul3A_224 = arith.constant 64 : i32
      %mul3A_225 = vector.broadcast %mul3A_224 : i32 to vector<16xi32>
      %mul3A_226 = arith.muli %and3A_223, %mul3A_225 : vector<16xi32>
      %add3A_227 = arith.constant 32 : i32
      %add3A_228 = vector.broadcast %add3A_227 : i32 to vector<16xi32>
      %add3A_229 = arith.addi %mul3A_226, %add3A_228 : vector<16xi32>
      %add3A_230 = arith.constant 0 : i32
      %add3A_231 = vector.broadcast %add3A_230 : i32 to vector<16xi32>
      %add3A_232 = arith.addi %mul3A_218, %add3A_231 : vector<16xi32>
      %gather3A = tpu.vector_load_idx %arg9[%add3A_181, %add3A_232] : memref<512x128xf32, #tpu.memory_space<vmem>>[vector<16xi32>, vector<16xi32>], vector<16xf32>,
      %add3A_233 = arith.constant 0 : i32
      %add3A_234 = vector.broadcast %add3A_233 : i32 to vector<16xi32>
      %add3A_235 = arith.addi %add3A_229, %add3A_234 : vector<16xi32>
      tpu.vector_store_idx %arg10[%shift_right_logical3A_220, %add3A_235], %gather3A : memref<256x128xf32, #tpu.memory_space<vmem>>[vector<16xi32>, vector<16xi32>], vector<16xf32>,
      %add3A_236 = arith.constant 1 : i32
      %add3A_237 = vector.broadcast %add3A_236 : i32 to vector<16xi32>
      %add3A_238 = arith.addi %mul3A_218, %add3A_237 : vector<16xi32>
      %gather3A_239 = tpu.vector_load_idx %arg9[%add3A_181, %add3A_238] : memref<512x128xf32, #tpu.memory_space<vmem>>[vector<16xi32>, vector<16xi32>], vector<16xf32>,
      %add3A_240 = arith.constant 1 : i32
      %add3A_241 = vector.broadcast %add3A_240 : i32 to vector<16xi32>
      %add3A_242 = arith.addi %add3A_229, %add3A_241 : vector<16xi32>
      tpu.vector_store_idx %arg10[%shift_right_logical3A_220, %add3A_242], %gather3A_239 : memref<256x128xf32, #tpu.memory_space<vmem>>[vector<16xi32>, vector<16xi32>], vector<16xf32>,
      %add3A_243 = arith.constant 2 : i32
      %add3A_244 = vector.broadcast %add3A_243 : i32 to vector<16xi32>
      %add3A_245 = arith.addi %mul3A_218, %add3A_244 : vector<16xi32>
      %gather3A_246 = tpu.vector_load_idx %arg9[%add3A_181, %add3A_245] : memref<512x128xf32, #tpu.memory_space<vmem>>[vector<16xi32>, vector<16xi32>], vector<16xf32>,
      %add3A_247 = arith.constant 2 : i32
      %add3A_248 = vector.broadcast %add3A_247 : i32 to vector<16xi32>
      %add3A_249 = arith.addi %add3A_229, %add3A_248 : vector<16xi32>
      tpu.vector_store_idx %arg10[%shift_right_logical3A_220, %add3A_249], %gather3A_246 : memref<256x128xf32, #tpu.memory_space<vmem>>[vector<16xi32>, vector<16xi32>], vector<16xf32>,
      %add3A_250 = arith.constant 3 : i32
      %add3A_251 = vector.broadcast %add3A_250 : i32 to vector<16xi32>
      %add3A_252 = arith.addi %mul3A_218, %add3A_251 : vector<16xi32>
      %gather3A_253 = tpu.vector_load_idx %arg9[%add3A_181, %add3A_252] : memref<512x128xf32, #tpu.memory_space<vmem>>[vector<16xi32>, vector<16xi32>], vector<16xf32>,
      %add3A_254 = arith.constant 3 : i32
      %add3A_255 = vector.broadcast %add3A_254 : i32 to vector<16xi32>
      %add3A_256 = arith.addi %add3A_229, %add3A_255 : vector<16xi32>
      tpu.vector_store_idx %arg10[%shift_right_logical3A_220, %add3A_256], %gather3A_253 : memref<256x128xf32, #tpu.memory_space<vmem>>[vector<16xi32>, vector<16xi32>], vector<16xf32>,
      %add3A_257 = arith.constant 4 : i32
      %add3A_258 = vector.broadcast %add3A_257 : i32 to vector<16xi32>
      %add3A_259 = arith.addi %mul3A_218, %add3A_258 : vector<16xi32>
      %gather3A_260 = tpu.vector_load_idx %arg9[%add3A_181, %add3A_259] : memref<512x128xf32, #tpu.memory_space<vmem>>[vector<16xi32>, vector<16xi32>], vector<16xf32>,
      %add3A_261 = arith.constant 4 : i32
      %add3A_262 = vector.broadcast %add3A_261 : i32 to vector<16xi32>
      %add3A_263 = arith.addi %add3A_229, %add3A_262 : vector<16xi32>
      tpu.vector_store_idx %arg10[%shift_right_logical3A_220, %add3A_263], %gather3A_260 : memref<256x128xf32, #tpu.memory_space<vmem>>[vector<16xi32>, vector<16xi32>], vector<16xf32>,
      %add3A_264 = arith.constant 5 : i32
      %add3A_265 = vector.broadcast %add3A_264 : i32 to vector<16xi32>
      %add3A_266 = arith.addi %mul3A_218, %add3A_265 : vector<16xi32>
      %gather3A_267 = tpu.vector_load_idx %arg9[%add3A_181, %add3A_266] : memref<512x128xf32, #tpu.memory_space<vmem>>[vector<16xi32>, vector<16xi32>], vector<16xf32>,
      %add3A_268 = arith.constant 5 : i32
      %add3A_269 = vector.broadcast %add3A_268 : i32 to vector<16xi32>
      %add3A_270 = arith.addi %add3A_229, %add3A_269 : vector<16xi32>
      tpu.vector_store_idx %arg10[%shift_right_logical3A_220, %add3A_270], %gather3A_267 : memref<256x128xf32, #tpu.memory_space<vmem>>[vector<16xi32>, vector<16xi32>], vector<16xf32>,
      %add3A_271 = arith.constant 6 : i32
      %add3A_272 = vector.broadcast %add3A_271 : i32 to vector<16xi32>
      %add3A_273 = arith.addi %mul3A_218, %add3A_272 : vector<16xi32>
      %gather3A_274 = tpu.vector_load_idx %arg9[%add3A_181, %add3A_273] : memref<512x128xf32, #tpu.memory_space<vmem>>[vector<16xi32>, vector<16xi32>], vector<16xf32>,
      %add3A_275 = arith.constant 6 : i32
      %add3A_276 = vector.broadcast %add3A_275 : i32 to vector<16xi32>
      %add3A_277 = arith.addi %add3A_229, %add3A_276 : vector<16xi32>
      tpu.vector_store_idx %arg10[%shift_right_logical3A_220, %add3A_277], %gather3A_274 : memref<256x128xf32, #tpu.memory_space<vmem>>[vector<16xi32>, vector<16xi32>], vector<16xf32>,
      %add3A_278 = arith.constant 7 : i32
      %add3A_279 = vector.broadcast %add3A_278 : i32 to vector<16xi32>
      %add3A_280 = arith.addi %mul3A_218, %add3A_279 : vector<16xi32>
      %gather3A_281 = tpu.vector_load_idx %arg9[%add3A_181, %add3A_280] : memref<512x128xf32, #tpu.memory_space<vmem>>[vector<16xi32>, vector<16xi32>], vector<16xf32>,
      %add3A_282 = arith.constant 7 : i32
      %add3A_283 = vector.broadcast %add3A_282 : i32 to vector<16xi32>
      %add3A_284 = arith.addi %add3A_229, %add3A_283 : vector<16xi32>
      tpu.vector_store_idx %arg10[%shift_right_logical3A_220, %add3A_284], %gather3A_281 : memref<256x128xf32, #tpu.memory_space<vmem>>[vector<16xi32>, vector<16xi32>], vector<16xf32>,
      %add3A_285 = arith.constant 8 : i32
      %add3A_286 = vector.broadcast %add3A_285 : i32 to vector<16xi32>
      %add3A_287 = arith.addi %mul3A_218, %add3A_286 : vector<16xi32>
      %gather3A_288 = tpu.vector_load_idx %arg9[%add3A_181, %add3A_287] : memref<512x128xf32, #tpu.memory_space<vmem>>[vector<16xi32>, vector<16xi32>], vector<16xf32>,
      %add3A_289 = arith.constant 8 : i32
      %add3A_290 = vector.broadcast %add3A_289 : i32 to vector<16xi32>
      %add3A_291 = arith.addi %add3A_229, %add3A_290 : vector<16xi32>
      tpu.vector_store_idx %arg10[%shift_right_logical3A_220, %add3A_291], %gather3A_288 : memref<256x128xf32, #tpu.memory_space<vmem>>[vector<16xi32>, vector<16xi32>], vector<16xf32>,
      %add3A_292 = arith.constant 9 : i32
      %add3A_293 = vector.broadcast %add3A_292 : i32 to vector<16xi32>
      %add3A_294 = arith.addi %mul3A_218, %add3A_293 : vector<16xi32>
      %gather3A_295 = tpu.vector_load_idx %arg9[%add3A_181, %add3A_294] : memref<512x128xf32, #tpu.memory_space<vmem>>[vector<16xi32>, vector<16xi32>], vector<16xf32>,
      %add3A_296 = arith.constant 9 : i32
      %add3A_297 = vector.broadcast %add3A_296 : i32 to vector<16xi32>
      %add3A_298 = arith.addi %add3A_229, %add3A_297 : vector<16xi32>
      tpu.vector_store_idx %arg10[%shift_right_logical3A_220, %add3A_298], %gather3A_295 : memref<256x128xf32, #tpu.memory_space<vmem>>[vector<16xi32>, vector<16xi32>], vector<16xf32>,
      %add3A_299 = arith.constant 10 : i32
      %add3A_300 = vector.broadcast %add3A_299 : i32 to vector<16xi32>
      %add3A_301 = arith.addi %mul3A_218, %add3A_300 : vector<16xi32>
      %gather3A_302 = tpu.vector_load_idx %arg9[%add3A_181, %add3A_301] : memref<512x128xf32, #tpu.memory_space<vmem>>[vector<16xi32>, vector<16xi32>], vector<16xf32>,
      %add3A_303 = arith.constant 10 : i32
      %add3A_304 = vector.broadcast %add3A_303 : i32 to vector<16xi32>
      %add3A_305 = arith.addi %add3A_229, %add3A_304 : vector<16xi32>
      tpu.vector_store_idx %arg10[%shift_right_logical3A_220, %add3A_305], %gather3A_302 : memref<256x128xf32, #tpu.memory_space<vmem>>[vector<16xi32>, vector<16xi32>], vector<16xf32>,
      %add3A_306 = arith.constant 11 : i32
      %add3A_307 = vector.broadcast %add3A_306 : i32 to vector<16xi32>
      %add3A_308 = arith.addi %mul3A_218, %add3A_307 : vector<16xi32>
      %gather3A_309 = tpu.vector_load_idx %arg9[%add3A_181, %add3A_308] : memref<512x128xf32, #tpu.memory_space<vmem>>[vector<16xi32>, vector<16xi32>], vector<16xf32>,
      %add3A_310 = arith.constant 11 : i32
      %add3A_311 = vector.broadcast %add3A_310 : i32 to vector<16xi32>
      %add3A_312 = arith.addi %add3A_229, %add3A_311 : vector<16xi32>
      tpu.vector_store_idx %arg10[%shift_right_logical3A_220, %add3A_312], %gather3A_309 : memref<256x128xf32, #tpu.memory_space<vmem>>[vector<16xi32>, vector<16xi32>], vector<16xf32>,
      %add3A_313 = arith.constant 12 : i32
      %add3A_314 = vector.broadcast %add3A_313 : i32 to vector<16xi32>
      %add3A_315 = arith.addi %mul3A_218, %add3A_314 : vector<16xi32>
      %gather3A_316 = tpu.vector_load_idx %arg9[%add3A_181, %add3A_315] : memref<512x128xf32, #tpu.memory_space<vmem>>[vector<16xi32>, vector<16xi32>], vector<16xf32>,
      %add3A_317 = arith.constant 12 : i32
      %add3A_318 = vector.broadcast %add3A_317 : i32 to vector<16xi32>
      %add3A_319 = arith.addi %add3A_229, %add3A_318 : vector<16xi32>
      tpu.vector_store_idx %arg10[%shift_right_logical3A_220, %add3A_319], %gather3A_316 : memref<256x128xf32, #tpu.memory_space<vmem>>[vector<16xi32>, vector<16xi32>], vector<16xf32>,
      %add3A_320 = arith.constant 13 : i32
      %add3A_321 = vector.broadcast %add3A_320 : i32 to vector<16xi32>
      %add3A_322 = arith.addi %mul3A_218, %add3A_321 : vector<16xi32>
      %gather3A_323 = tpu.vector_load_idx %arg9[%add3A_181, %add3A_322] : memref<512x128xf32, #tpu.memory_space<vmem>>[vector<16xi32>, vector<16xi32>], vector<16xf32>,
      %add3A_324 = arith.constant 13 : i32
      %add3A_325 = vector.broadcast %add3A_324 : i32 to vector<16xi32>
      %add3A_326 = arith.addi %add3A_229, %add3A_325 : vector<16xi32>
      tpu.vector_store_idx %arg10[%shift_right_logical3A_220, %add3A_326], %gather3A_323 : memref<256x128xf32, #tpu.memory_space<vmem>>[vector<16xi32>, vector<16xi32>], vector<16xf32>,
      %add3A_327 = arith.constant 14 : i32
      %add3A_328 = vector.broadcast %add3A_327 : i32 to vector<16xi32>
      %add3A_329 = arith.addi %mul3A_218, %add3A_328 : vector<16xi32>
      %gather3A_330 = tpu.vector_load_idx %arg9[%add3A_181, %add3A_329] : memref<512x128xf32, #tpu.memory_space<vmem>>[vector<16xi32>, vector<16xi32>], vector<16xf32>,
      %add3A_331 = arith.constant 14 : i32
      %add3A_332 = vector.broadcast %add3A_331 : i32 to vector<16xi32>
      %add3A_333 = arith.addi %add3A_229, %add3A_332 : vector<16xi32>
      tpu.vector_store_idx %arg10[%shift_right_logical3A_220, %add3A_333], %gather3A_330 : memref<256x128xf32, #tpu.memory_space<vmem>>[vector<16xi32>, vector<16xi32>], vector<16xf32>,
      %add3A_334 = arith.constant 15 : i32
      %add3A_335 = vector.broadcast %add3A_334 : i32 to vector<16xi32>
      %add3A_336 = arith.addi %mul3A_218, %add3A_335 : vector<16xi32>
      %gather3A_337 = tpu.vector_load_idx %arg9[%add3A_181, %add3A_336] : memref<512x128xf32, #tpu.memory_space<vmem>>[vector<16xi32>, vector<16xi32>], vector<16xf32>,
      %add3A_338 = arith.constant 15 : i32
      %add3A_339 = vector.broadcast %add3A_338 : i32 to vector<16xi32>
      %add3A_340 = arith.addi %add3A_229, %add3A_339 : vector<16xi32>
      tpu.vector_store_idx %arg10[%shift_right_logical3A_220, %add3A_340], %gather3A_337 : memref<256x128xf32, #tpu.memory_space<vmem>>[vector<16xi32>, vector<16xi32>], vector<16xf32>,
      %add3A_341 = arith.constant 16 : i32
      %add3A_342 = vector.broadcast %add3A_341 : i32 to vector<16xi32>
      %add3A_343 = arith.addi %mul3A_218, %add3A_342 : vector<16xi32>
      %gather3A_344 = tpu.vector_load_idx %arg9[%add3A_181, %add3A_343] : memref<512x128xf32, #tpu.memory_space<vmem>>[vector<16xi32>, vector<16xi32>], vector<16xf32>,
      %add3A_345 = arith.constant 16 : i32
      %add3A_346 = vector.broadcast %add3A_345 : i32 to vector<16xi32>
      %add3A_347 = arith.addi %add3A_229, %add3A_346 : vector<16xi32>
      tpu.vector_store_idx %arg10[%shift_right_logical3A_220, %add3A_347], %gather3A_344 : memref<256x128xf32, #tpu.memory_space<vmem>>[vector<16xi32>, vector<16xi32>], vector<16xf32>,
      %add3A_348 = arith.constant 17 : i32
      %add3A_349 = vector.broadcast %add3A_348 : i32 to vector<16xi32>
      %add3A_350 = arith.addi %mul3A_218, %add3A_349 : vector<16xi32>
      %gather3A_351 = tpu.vector_load_idx %arg9[%add3A_181, %add3A_350] : memref<512x128xf32, #tpu.memory_space<vmem>>[vector<16xi32>, vector<16xi32>], vector<16xf32>,
      %add3A_352 = arith.constant 17 : i32
      %add3A_353 = vector.broadcast %add3A_352 : i32 to vector<16xi32>
      %add3A_354 = arith.addi %add3A_229, %add3A_353 : vector<16xi32>
      tpu.vector_store_idx %arg10[%shift_right_logical3A_220, %add3A_354], %gather3A_351 : memref<256x128xf32, #tpu.memory_space<vmem>>[vector<16xi32>, vector<16xi32>], vector<16xf32>,
      %add3A_355 = arith.constant 18 : i32
      %add3A_356 = vector.broadcast %add3A_355 : i32 to vector<16xi32>
      %add3A_357 = arith.addi %mul3A_218, %add3A_356 : vector<16xi32>
      %gather3A_358 = tpu.vector_load_idx %arg9[%add3A_181, %add3A_357] : memref<512x128xf32, #tpu.memory_space<vmem>>[vector<16xi32>, vector<16xi32>], vector<16xf32>,
      %add3A_359 = arith.constant 18 : i32
      %add3A_360 = vector.broadcast %add3A_359 : i32 to vector<16xi32>
      %add3A_361 = arith.addi %add3A_229, %add3A_360 : vector<16xi32>
      tpu.vector_store_idx %arg10[%shift_right_logical3A_220, %add3A_361], %gather3A_358 : memref<256x128xf32, #tpu.memory_space<vmem>>[vector<16xi32>, vector<16xi32>], vector<16xf32>,
      %add3A_362 = arith.constant 19 : i32
      %add3A_363 = vector.broadcast %add3A_362 : i32 to vector<16xi32>
      %add3A_364 = arith.addi %mul3A_218, %add3A_363 : vector<16xi32>
      %gather3A_365 = tpu.vector_load_idx %arg9[%add3A_181, %add3A_364] : memref<512x128xf32, #tpu.memory_space<vmem>>[vector<16xi32>, vector<16xi32>], vector<16xf32>,
      %add3A_366 = arith.constant 19 : i32
      %add3A_367 = vector.broadcast %add3A_366 : i32 to vector<16xi32>
      %add3A_368 = arith.addi %add3A_229, %add3A_367 : vector<16xi32>
      tpu.vector_store_idx %arg10[%shift_right_logical3A_220, %add3A_368], %gather3A_365 : memref<256x128xf32, #tpu.memory_space<vmem>>[vector<16xi32>, vector<16xi32>], vector<16xf32>,
      %add3A_369 = arith.constant 20 : i32
      %add3A_370 = vector.broadcast %add3A_369 : i32 to vector<16xi32>
      %add3A_371 = arith.addi %mul3A_218, %add3A_370 : vector<16xi32>
      %gather3A_372 = tpu.vector_load_idx %arg9[%add3A_181, %add3A_371] : memref<512x128xf32, #tpu.memory_space<vmem>>[vector<16xi32>, vector<16xi32>], vector<16xf32>,
      %add3A_373 = arith.constant 20 : i32
      %add3A_374 = vector.broadcast %add3A_373 : i32 to vector<16xi32>
      %add3A_375 = arith.addi %add3A_229, %add3A_374 : vector<16xi32>
      tpu.vector_store_idx %arg10[%shift_right_logical3A_220, %add3A_375], %gather3A_372 : memref<256x128xf32, #tpu.memory_space<vmem>>[vector<16xi32>, vector<16xi32>], vector<16xf32>,
      %add3A_376 = arith.constant 21 : i32
      %add3A_377 = vector.broadcast %add3A_376 : i32 to vector<16xi32>
      %add3A_378 = arith.addi %mul3A_218, %add3A_377 : vector<16xi32>
      %gather3A_379 = tpu.vector_load_idx %arg9[%add3A_181, %add3A_378] : memref<512x128xf32, #tpu.memory_space<vmem>>[vector<16xi32>, vector<16xi32>], vector<16xf32>,
      %add3A_380 = arith.constant 21 : i32
      %add3A_381 = vector.broadcast %add3A_380 : i32 to vector<16xi32>
      %add3A_382 = arith.addi %add3A_229, %add3A_381 : vector<16xi32>
      tpu.vector_store_idx %arg10[%shift_right_logical3A_220, %add3A_382], %gather3A_379 : memref<256x128xf32, #tpu.memory_space<vmem>>[vector<16xi32>, vector<16xi32>], vector<16xf32>,
      %add3A_383 = arith.constant 22 : i32
      %add3A_384 = vector.broadcast %add3A_383 : i32 to vector<16xi32>
      %add3A_385 = arith.addi %mul3A_218, %add3A_384 : vector<16xi32>
      %gather3A_386 = tpu.vector_load_idx %arg9[%add3A_181, %add3A_385] : memref<512x128xf32, #tpu.memory_space<vmem>>[vector<16xi32>, vector<16xi32>], vector<16xf32>,
      %add3A_387 = arith.constant 22 : i32
      %add3A_388 = vector.broadcast %add3A_387 : i32 to vector<16xi32>
      %add3A_389 = arith.addi %add3A_229, %add3A_388 : vector<16xi32>
      tpu.vector_store_idx %arg10[%shift_right_logical3A_220, %add3A_389], %gather3A_386 : memref<256x128xf32, #tpu.memory_space<vmem>>[vector<16xi32>, vector<16xi32>], vector<16xf32>,
      %add3A_390 = arith.constant 23 : i32
      %add3A_391 = vector.broadcast %add3A_390 : i32 to vector<16xi32>
      %add3A_392 = arith.addi %mul3A_218, %add3A_391 : vector<16xi32>
      %gather3A_393 = tpu.vector_load_idx %arg9[%add3A_181, %add3A_392] : memref<512x128xf32, #tpu.memory_space<vmem>>[vector<16xi32>, vector<16xi32>], vector<16xf32>,
      %add3A_394 = arith.constant 23 : i32
      %add3A_395 = vector.broadcast %add3A_394 : i32 to vector<16xi32>
      %add3A_396 = arith.addi %add3A_229, %add3A_395 : vector<16xi32>
      tpu.vector_store_idx %arg10[%shift_right_logical3A_220, %add3A_396], %gather3A_393 : memref<256x128xf32, #tpu.memory_space<vmem>>[vector<16xi32>, vector<16xi32>], vector<16xf32>,
      %add3A_397 = arith.constant 24 : i32
      %add3A_398 = vector.broadcast %add3A_397 : i32 to vector<16xi32>
      %add3A_399 = arith.addi %mul3A_218, %add3A_398 : vector<16xi32>
      %gather3A_400 = tpu.vector_load_idx %arg9[%add3A_181, %add3A_399] : memref<512x128xf32, #tpu.memory_space<vmem>>[vector<16xi32>, vector<16xi32>], vector<16xf32>,
      %add3A_401 = arith.constant 24 : i32
      %add3A_402 = vector.broadcast %add3A_401 : i32 to vector<16xi32>
      %add3A_403 = arith.addi %add3A_229, %add3A_402 : vector<16xi32>
      tpu.vector_store_idx %arg10[%shift_right_logical3A_220, %add3A_403], %gather3A_400 : memref<256x128xf32, #tpu.memory_space<vmem>>[vector<16xi32>, vector<16xi32>], vector<16xf32>,
      %add3A_404 = arith.constant 25 : i32
      %add3A_405 = vector.broadcast %add3A_404 : i32 to vector<16xi32>
      %add3A_406 = arith.addi %mul3A_218, %add3A_405 : vector<16xi32>
      %gather3A_407 = tpu.vector_load_idx %arg9[%add3A_181, %add3A_406] : memref<512x128xf32, #tpu.memory_space<vmem>>[vector<16xi32>, vector<16xi32>], vector<16xf32>,
      %add3A_408 = arith.constant 25 : i32
      %add3A_409 = vector.broadcast %add3A_408 : i32 to vector<16xi32>
      %add3A_410 = arith.addi %add3A_229, %add3A_409 : vector<16xi32>
      tpu.vector_store_idx %arg10[%shift_right_logical3A_220, %add3A_410], %gather3A_407 : memref<256x128xf32, #tpu.memory_space<vmem>>[vector<16xi32>, vector<16xi32>], vector<16xf32>,
      %add3A_411 = arith.constant 26 : i32
      %add3A_412 = vector.broadcast %add3A_411 : i32 to vector<16xi32>
      %add3A_413 = arith.addi %mul3A_218, %add3A_412 : vector<16xi32>
      %gather3A_414 = tpu.vector_load_idx %arg9[%add3A_181, %add3A_413] : memref<512x128xf32, #tpu.memory_space<vmem>>[vector<16xi32>, vector<16xi32>], vector<16xf32>,
      %add3A_415 = arith.constant 26 : i32
      %add3A_416 = vector.broadcast %add3A_415 : i32 to vector<16xi32>
      %add3A_417 = arith.addi %add3A_229, %add3A_416 : vector<16xi32>
      tpu.vector_store_idx %arg10[%shift_right_logical3A_220, %add3A_417], %gather3A_414 : memref<256x128xf32, #tpu.memory_space<vmem>>[vector<16xi32>, vector<16xi32>], vector<16xf32>,
      %add3A_418 = arith.constant 27 : i32
      %add3A_419 = vector.broadcast %add3A_418 : i32 to vector<16xi32>
      %add3A_420 = arith.addi %mul3A_218, %add3A_419 : vector<16xi32>
      %gather3A_421 = tpu.vector_load_idx %arg9[%add3A_181, %add3A_420] : memref<512x128xf32, #tpu.memory_space<vmem>>[vector<16xi32>, vector<16xi32>], vector<16xf32>,
      %add3A_422 = arith.constant 27 : i32
      %add3A_423 = vector.broadcast %add3A_422 : i32 to vector<16xi32>
      %add3A_424 = arith.addi %add3A_229, %add3A_423 : vector<16xi32>
      tpu.vector_store_idx %arg10[%shift_right_logical3A_220, %add3A_424], %gather3A_421 : memref<256x128xf32, #tpu.memory_space<vmem>>[vector<16xi32>, vector<16xi32>], vector<16xf32>,
      %add3A_425 = arith.constant 28 : i32
      %add3A_426 = vector.broadcast %add3A_425 : i32 to vector<16xi32>
      %add3A_427 = arith.addi %mul3A_218, %add3A_426 : vector<16xi32>
      %gather3A_428 = tpu.vector_load_idx %arg9[%add3A_181, %add3A_427] : memref<512x128xf32, #tpu.memory_space<vmem>>[vector<16xi32>, vector<16xi32>], vector<16xf32>,
      %add3A_429 = arith.constant 28 : i32
      %add3A_430 = vector.broadcast %add3A_429 : i32 to vector<16xi32>
      %add3A_431 = arith.addi %add3A_229, %add3A_430 : vector<16xi32>
      tpu.vector_store_idx %arg10[%shift_right_logical3A_220, %add3A_431], %gather3A_428 : memref<256x128xf32, #tpu.memory_space<vmem>>[vector<16xi32>, vector<16xi32>], vector<16xf32>,
      %add3A_432 = arith.constant 29 : i32
      %add3A_433 = vector.broadcast %add3A_432 : i32 to vector<16xi32>
      %add3A_434 = arith.addi %mul3A_218, %add3A_433 : vector<16xi32>
      %gather3A_435 = tpu.vector_load_idx %arg9[%add3A_181, %add3A_434] : memref<512x128xf32, #tpu.memory_space<vmem>>[vector<16xi32>, vector<16xi32>], vector<16xf32>,
      %add3A_436 = arith.constant 29 : i32
      %add3A_437 = vector.broadcast %add3A_436 : i32 to vector<16xi32>
      %add3A_438 = arith.addi %add3A_229, %add3A_437 : vector<16xi32>
      tpu.vector_store_idx %arg10[%shift_right_logical3A_220, %add3A_438], %gather3A_435 : memref<256x128xf32, #tpu.memory_space<vmem>>[vector<16xi32>, vector<16xi32>], vector<16xf32>,
      %add3A_439 = arith.constant 30 : i32
      %add3A_440 = vector.broadcast %add3A_439 : i32 to vector<16xi32>
      %add3A_441 = arith.addi %mul3A_218, %add3A_440 : vector<16xi32>
      %gather3A_442 = tpu.vector_load_idx %arg9[%add3A_181, %add3A_441] : memref<512x128xf32, #tpu.memory_space<vmem>>[vector<16xi32>, vector<16xi32>], vector<16xf32>,
      %add3A_443 = arith.constant 30 : i32
      %add3A_444 = vector.broadcast %add3A_443 : i32 to vector<16xi32>
      %add3A_445 = arith.addi %add3A_229, %add3A_444 : vector<16xi32>
      tpu.vector_store_idx %arg10[%shift_right_logical3A_220, %add3A_445], %gather3A_442 : memref<256x128xf32, #tpu.memory_space<vmem>>[vector<16xi32>, vector<16xi32>], vector<16xf32>,
      %add3A_446 = arith.constant 31 : i32
      %add3A_447 = vector.broadcast %add3A_446 : i32 to vector<16xi32>
      %add3A_448 = arith.addi %mul3A_218, %add3A_447 : vector<16xi32>
      %gather3A_449 = tpu.vector_load_idx %arg9[%add3A_181, %add3A_448] : memref<512x128xf32, #tpu.memory_space<vmem>>[vector<16xi32>, vector<16xi32>], vector<16xf32>,
      %add3A_450 = arith.constant 31 : i32
      %add3A_451 = vector.broadcast %add3A_450 : i32 to vector<16xi32>
      %add3A_452 = arith.addi %add3A_229, %add3A_451 : vector<16xi32>
      tpu.vector_store_idx %arg10[%shift_right_logical3A_220, %add3A_452], %gather3A_449 : memref<256x128xf32, #tpu.memory_space<vmem>>[vector<16xi32>, vector<16xi32>], vector<16xf32>,
    }
    %scan3A_175 = arith.constant 32 : i32
    %mul3A_176 = arith.constant 256 : i32
    %mul3A_177 = arith.muli %add3A, %mul3A_176 : i32
    "tpu.region"() ({
      %run_scoped3A = tpu.sem_alloc : memref<!tpu.dma_semaphore, #tpu.memory_space<semaphore_mem>>
      %dma_start3A_178 = arith.constant 0 : i32
      %dma_start3A_179 = tpu.memref_slice %arg6[%mul3A_177, %dma_start3A_178] : memref<8192x128xf32, #tpu.memory_space<hbm>> -> memref<256x128xf32, #tpu.memory_space<hbm>>
      %dma_start3A_180 = arith.constant 0 : i32
      %dma_start3A_181 = tpu.memref_slice %arg6[%mul3A_177, %dma_start3A_180] : memref<8192x128xf32, #tpu.memory_space<hbm>> -> memref<256x128xf32, #tpu.memory_space<hbm>>
      tpu.enqueue_dma source(%arg10 : memref<256x128xf32, #tpu.memory_space<vmem>>) target(%dma_start3A_181 : memref<256x128xf32, #tpu.memory_space<hbm>>) target_semaphore(%run_scoped3A : memref<!tpu.dma_semaphore, #tpu.memory_space<semaphore_mem>>)
      %dma_wait3A_182 = arith.constant 0 : i32
      %dma_wait3A_183 = tpu.memref_slice %arg6[%mul3A_177, %dma_wait3A_182] : memref<8192x128xf32, #tpu.memory_space<hbm>> -> memref<256x128xf32, #tpu.memory_space<hbm>>
      %dma_wait3A_184 = arith.constant 0 : i32
      %dma_wait3A_185 = tpu.memref_slice %arg6[%mul3A_177, %dma_wait3A_184] : memref<8192x128xf32, #tpu.memory_space<hbm>> -> memref<256x128xf32, #tpu.memory_space<hbm>>
      tpu.wait_dma2 semaphore(%run_scoped3A : memref<!tpu.dma_semaphore, #tpu.memory_space<semaphore_mem>>) src(%arg10 : memref<256x128xf32, #tpu.memory_space<vmem>>) dst(%dma_wait3A_185 : memref<256x128xf32, #tpu.memory_space<hbm>>)
      tpu.yield
    }) : () -> ()
    return
  }
}

module attributes {stable_mosaic.version = 14 : i64} {
  func.func @_tc_body(%arg0: i32, %arg1: memref<32x8192xf32, #tpu.memory_space<vmem>>, %arg2: memref<32x8192xf32, #tpu.memory_space<vmem>>, %arg3: memref<32x8192xf32, #tpu.memory_space<vmem>>, %arg4: memref<32x8192xf32, #tpu.memory_space<vmem>>, %arg5: memref<8192x128xf32, #tpu.memory_space<vmem>>) attributes {dimension_semantics = [#tpu.dimension_semantics<arbitrary>], iteration_bounds = array<i64: 31>, scalar_prefetch = 0 : i64, scratch_operands = 0 : i64, tpu.core_type = #tpu.core_type<tc>, window_params = [{transform_indices = @transform_0, window_bounds = array<i64: 32, 8192>}, {transform_indices = @transform_1, window_bounds = array<i64: 32, 8192>}, {transform_indices = @transform_2, window_bounds = array<i64: 32, 8192>}, {transform_indices = @transform_3, window_bounds = array<i64: 32, 8192>}, {transform_indices = @transform_4, window_bounds = array<i64: 8192, 128>}]} {
    %iota3A = tpu.iota {dimensions = array<i32: 0>} : vector<32x32xi32>
    %iota3A_0 = tpu.iota {dimensions = array<i32: 1>} : vector<32x32xi32>
    %add3A = arith.constant 0 : i32
    %add3A_1 = vector.broadcast %add3A : i32 to vector<32x32xi32>
    %add3A_2 = arith.addi %iota3A, %add3A_1 : vector<32x32xi32>
    %eq3A = arith.cmpi eq, %add3A_2, %iota3A_0 : vector<32x32xi32>
    %convert_element_type3A = arith.extui %eq3A : vector<32x32xi1> to vector<32x32xi32>
    %convert_element_type3A_3 = arith.sitofp %convert_element_type3A : vector<32x32xi32> to vector<32x32xf32>
    %convert_element_type3A_4 = arith.truncf %convert_element_type3A_3 : vector<32x32xf32> to vector<32x32xbf16>
    %get3A = arith.constant 0 : index
    %get3A_5 = arith.constant 0 : index
    %get3A_6 = vector.load %arg1[%get3A, %get3A_5] : memref<32x8192xf32, #tpu.memory_space<vmem>>, vector<32x8192xf32>
    %convert_element_type3A_7 = arith.truncf %get3A_6 : vector<32x8192xf32> to vector<32x8192xbf16>
    %dot_general3A = arith.constant dense<0.000000e+00> : vector<8192x32xf32>
    %dot_general3A_8 = tpu.matmul %convert_element_type3A_7, %convert_element_type3A_4, %dot_general3A {dimension_numbers = #tpu.dot_dimension_numbers<[0], [0], [1], [1], [0, 1, 1, 1], [], []>, transpose_lhs_hint = false} : vector<32x8192xbf16>, vector<32x32xbf16>, vector<8192x32xf32> -> vector<8192x32xf32>
    %get3A_9 = arith.constant 0 : index
    %get3A_10 = arith.constant 0 : index
    %get3A_11 = vector.load %arg2[%get3A_9, %get3A_10] : memref<32x8192xf32, #tpu.memory_space<vmem>>, vector<32x8192xf32>
    %convert_element_type3A_12 = arith.truncf %get3A_11 : vector<32x8192xf32> to vector<32x8192xbf16>
    %dot_general3A_13 = arith.constant dense<0.000000e+00> : vector<8192x32xf32>
    %dot_general3A_14 = tpu.matmul %convert_element_type3A_12, %convert_element_type3A_4, %dot_general3A_13 {dimension_numbers = #tpu.dot_dimension_numbers<[0], [0], [1], [1], [0, 1, 1, 1], [], []>, transpose_lhs_hint = false} : vector<32x8192xbf16>, vector<32x32xbf16>, vector<8192x32xf32> -> vector<8192x32xf32>
    %get3A_15 = arith.constant 0 : index
    %get3A_16 = arith.constant 0 : index
    %get3A_17 = vector.load %arg3[%get3A_15, %get3A_16] : memref<32x8192xf32, #tpu.memory_space<vmem>>, vector<32x8192xf32>
    %convert_element_type3A_18 = arith.truncf %get3A_17 : vector<32x8192xf32> to vector<32x8192xbf16>
    %dot_general3A_19 = arith.constant dense<0.000000e+00> : vector<8192x32xf32>
    %dot_general3A_20 = tpu.matmul %convert_element_type3A_18, %convert_element_type3A_4, %dot_general3A_19 {dimension_numbers = #tpu.dot_dimension_numbers<[0], [0], [1], [1], [0, 1, 1, 1], [], []>, transpose_lhs_hint = false} : vector<32x8192xbf16>, vector<32x32xbf16>, vector<8192x32xf32> -> vector<8192x32xf32>
    %get3A_21 = arith.constant 0 : index
    %get3A_22 = arith.constant 0 : index
    %get3A_23 = vector.load %arg4[%get3A_21, %get3A_22] : memref<32x8192xf32, #tpu.memory_space<vmem>>, vector<32x8192xf32>
    %convert_element_type3A_24 = arith.truncf %get3A_23 : vector<32x8192xf32> to vector<32x8192xbf16>
    %dot_general3A_25 = arith.constant dense<0.000000e+00> : vector<8192x32xf32>
    %dot_general3A_26 = tpu.matmul %convert_element_type3A_24, %convert_element_type3A_4, %dot_general3A_25 {dimension_numbers = #tpu.dot_dimension_numbers<[0], [0], [1], [1], [0, 1, 1, 1], [], []>, transpose_lhs_hint = false} : vector<32x8192xbf16>, vector<32x32xbf16>, vector<8192x32xf32> -> vector<8192x32xf32>
    %concatenate3A = tpu.concatenate %dot_general3A_8, %dot_general3A_14, %dot_general3A_20, %dot_general3A_26 in 1 : vector<8192x32xf32>, vector<8192x32xf32>, vector<8192x32xf32>, vector<8192x32xf32> -> vector<8192x128xf32>
    %swap3A = arith.constant 0 : index
    %swap3A_27 = arith.constant 0 : index
    %swap3A_28 = vector.load %arg5[%swap3A, %swap3A_27] : memref<8192x128xf32, #tpu.memory_space<vmem>>, vector<8192x128xf32>
    tpu.vector_store %arg5[%swap3A, %swap3A_27], %concatenate3A {strides = array<i32>} : memref<8192x128xf32, #tpu.memory_space<vmem>>, vector<8192x128xf32>,
    return
  }
  func.func @transform_0(%arg0: i32) -> (i32, i32) {
    %add3A = arith.constant 0 : i32
    %add3A_0 = arith.addi %add3A, %arg0 : i32
    %min3A = arith.constant 122 : i32
    %min3A_1 = arith.minsi %add3A_0, %min3A : i32
    %c0_i32 = arith.constant 0 : i32
    %c0_i32_2 = arith.constant 0 : i32
    return %c0_i32, %min3A_1 : i32, i32
  }
  func.func @transform_1(%arg0: i32) -> (i32, i32) {
    %add3A = arith.constant 31 : i32
    %add3A_0 = arith.addi %add3A, %arg0 : i32
    %min3A = arith.constant 122 : i32
    %min3A_1 = arith.minsi %add3A_0, %min3A : i32
    %c0_i32 = arith.constant 0 : i32
    %c0_i32_2 = arith.constant 0 : i32
    return %c0_i32, %min3A_1 : i32, i32
  }
  func.func @transform_2(%arg0: i32) -> (i32, i32) {
    %add3A = arith.constant 62 : i32
    %add3A_0 = arith.addi %add3A, %arg0 : i32
    %min3A = arith.constant 122 : i32
    %min3A_1 = arith.minsi %add3A_0, %min3A : i32
    %c0_i32 = arith.constant 0 : i32
    %c0_i32_2 = arith.constant 0 : i32
    return %c0_i32, %min3A_1 : i32, i32
  }
  func.func @transform_3(%arg0: i32) -> (i32, i32) {
    %add3A = arith.constant 93 : i32
    %add3A_0 = arith.addi %add3A, %arg0 : i32
    %min3A = arith.constant 122 : i32
    %min3A_1 = arith.minsi %add3A_0, %min3A : i32
    %c0_i32 = arith.constant 0 : i32
    %c0_i32_2 = arith.constant 0 : i32
    return %c0_i32, %min3A_1 : i32, i32
  }
  func.func @transform_4(%arg0: i32) -> (i32, i32) {
    %c0_i32 = arith.constant 0 : i32
    %c0_i32_0 = arith.constant 0 : i32
    return %arg0, %c0_i32 : i32, i32
  }
}

</mosaic_0001>

<sc_bundles>
// kernel: kernel.5.cloned.1.call-start
scs
__scs_entry_jumppad:
0x0: {  	(pc) =	sbr.rel $0x88, $3  }
0x1: {  	(tag) =	ssettag $0x0;
	lr =	simm.s32 $0x1  }
0x2: {  	[smem:$0x3F9E] =	sst lr;
	_ =	strace $0xD0000000  }
0x3: {  	_ = 	snop  }
0x4: {  	_ = 	snop  }
0x5: {  	_ = 	snop  }
0x6: {  	_ = 	snop  }
0x7: {  	_ = 	snop  }
__scs_overlays_trampoline_lowered:
0x8: {  	[smem:$0x3FAD] =	sst s0  }
0x9: {  	[smem:$0x3FAE] =	sst s1  }
0xa: {  	[smem:$0x3FAF] =	sst s2  }
0xb: {  	[smem:$0x3FB0] =	sst s3  }
0xc: {  	[smem:$0x3FB1] =	sst s4  }
0xd: {  	[smem:$0x3FB2] =	sst s5  }
0xe: {  	[smem:$0x3FB3] =	sst s6  }
0xf: {  	[smem:$0x3FB4] =	sst s7  }
0x10: {  	[smem:$0x3FB5] =	sst s8  }
0x11: {  	[smem:$0x3FB6] =	sst s9;
	s0 =	simm.s32 @!p0 $0x0  }
0x12: {  	s1 =	sld [smem:$0x3F9C];
	s0 =	simm.s32 @p0 $0x1  }
0x13: {  	[smem:$0x3FB7] =	sst s0;
	s0 =	simm.s32 @!p1 $0x0  }
0x14: {  	s2 =	sld [smem:$0x3F9B];
	s0 =	simm.s32 @p1 $0x1  }
0x15: {  	[smem:$0x3FB8] =	sst s0;
	s0 =	simm.s32 @!p2 $0x0  }
0x16: {  	s3 =	sld [smem:$0x3FDB];
	s0 =	simm.s32 @p2 $0x1  }
0x17: {  	s4 =	simm.s32 $0x1BF5;
	[smem:$0x3FBA] =	sst s0  }
0x18: {  	s0 =	sld [smem:$0x3F9D];
	_ =	swait.ge [sflag:s4], $0x0  }
0x19: {  	s7 =	sld [smem:$0x3F9E]  }
0x1a: {  	s8 =	sadd.s32 $0xFFFFE003, lr  }
0x1b: {  	s9 =	sadd.s32 $0xFFFFFEF7, lr;
	s5 =	simm.s32 $0xFFFFFFFF;
	p2 =	slt.u32 s8, $0xFFFFF086  }
0x1c: {  	p1 =	slt.u32 s9, $0xF7A;
	s5 =	simm.s32 @!p2 $0x0  }
0x1d: {  	s5 =	simm.s32 @p1 $0x1;
	p0 =	seq.s32 s7, s2  }
0x1e: {  	s7 =	smul.u32 @!p0 $0xF7A, s2;
	p2 =	seq.s32 @!p0 s5, $0x0  }
0x1f: {  	s9 =	smul.u32 $0xF7A, s1;
	s8 =	simm.s32 @!p0 $0x1BF5;
	p2 =	por !p2, p0  }
0x20: {  	[sflag:s8] =	ssyncset.s32 @!p0 $0xFFFFF086;
	s6 =	sadd.s32 @!p0 s3, s7;
	s7 =	simm.s32 @!p0 $0x108  }
0x21: {  	s3 =	sadd.s32 s3, s9;
	s6 =	sadd.s32 @!p0 $0x88, s6;
	s7 =	simm.s32 @p2 $0x1082  }
0x22: {  	[simem:s7], [sflag:s8] =	dma.local @!p0 [hbm:s6], $0xF7A  }
0x23: {  	s9 =	sor.u32 $0xD0000000, s2;
	s6 =	simm.s32 $0x108;
	_ =	swait.ge @!p0 [sflag:s8], $0x0  }
0x24: {  	s3 =	sadd.s32 $0x88, s3;
	s6 =	simm.s32 @!p1 $0x1082;
	[sflag:s4] =	ssyncset.s32 $0xFFFFF086  }
0x25: {  	[simem:s6], [sflag:s4] =	dma.local [hbm:s3], $0xF7A  }
0x26: {  	[smem:$0x3F9E] =	sst s1;
	(tag) =	ssettag s2;
	_ =	strace s9  }
0x27: {  	s1 =	sld [smem:$0x3FAE]  }
0x28: {  	s2 =	sld [smem:$0x3FAF]  }
0x29: {  	s4 =	sld [smem:$0x3FB1]  }
0x2a: {  	p0 =	seq.s32 s5, $0x0;
	s5 =	sld [smem:$0x3FB2]  }
0x2b: {  	s6 =	sld [smem:$0x3FB3]  }
0x2c: {  	s7 =	sld [smem:$0x3FB4]  }
0x2d: {  	s3 =	simm.s32 $0x108;
	s8 =	sld [smem:$0x3FB5]  }
0x2e: {  	s3 =	simm.s32 @!p0 $0x1082;
	s9 =	sld [smem:$0x3FB6]  }
0x2f: {  	lr =	sadd.s32 s0, s3;
	s0 =	sld [smem:$0x3FAD]  }
0x30: {  	s3 =	sld [smem:$0x3FB0]  }
0x31: {  	[smem:$0x3FB9] =	sst s10  }
0x32: {  	s10 =	sld [smem:$0x3FB7];
	_ =	sdelay $0x3  }
0x33: {  	p0 =	seq.s32 s10, $0x1;
	s10 =	sld [smem:$0x3FB9];
	_ =	sdelay $0x3  }
0x34: {  	[smem:$0x3FB9] =	sst s10  }
0x35: {  	s10 =	sld [smem:$0x3FB8];
	_ =	sdelay $0x3  }
0x36: {  	p1 =	seq.s32 s10, $0x1;
	s10 =	sld [smem:$0x3FB9];
	_ =	sdelay $0x3  }
0x37: {  	[smem:$0x3FB9] =	sst s10  }
0x38: {  	s10 =	sld [smem:$0x3FBA]  }
0x39: {  	_ = 	snop;
	(pc) =	sbr.ind lr, $3  }
0x3a: {  	_ = 	snop  }
0x3b: {  	_ = 	snop  }
0x3c: {  	p2 =	seq.s32 s10, $0x1;
	s10 =	sld [smem:$0x3FB9]  }
0x3d: {  	_ =	shalt  }
0x3e: {  	_ =	shalt  }
0x3f: {  	_ =	shalt  }
0x40: {  	_ =	shalt  }
0x41: {  	_ =	shalt  }
0x42: {  	_ =	shalt  }
0x43: {  	_ =	shalt  }
0x44: {  	_ =	shalt  }
0x45: {  	_ =	shalt  }
0x46: {  	_ =	shalt  }
0x47: {  	_ =	shalt  }
0x48: {  	_ =	shalt  }
0x49: {  	_ =	shalt  }
0x4a: {  	_ =	shalt  }
0x4b: {  	_ =	shalt  }
0x4c: {  	_ =	shalt  }
0x4d: {  	_ =	shalt  }
0x4e: {  	_ =	shalt  }
0x4f: {  	_ =	shalt  }
0x50: {  	_ =	shalt  }
0x51: {  	_ =	shalt  }
0x52: {  	_ =	shalt  }
0x53: {  	_ =	shalt  }
0x54: {  	_ =	shalt  }
0x55: {  	_ =	shalt  }
0x56: {  	_ =	shalt  }
0x57: {  	_ =	shalt  }
0x58: {  	_ =	shalt  }
0x59: {  	_ =	shalt  }
0x5a: {  	_ =	shalt  }
0x5b: {  	_ =	shalt  }
0x5c: {  	_ =	shalt  }
0x5d: {  	_ =	shalt  }
0x5e: {  	_ =	shalt  }
0x5f: {  	_ =	shalt  }
0x60: {  	_ =	shalt  }
0x61: {  	_ =	shalt  }
0x62: {  	_ =	shalt  }
0x63: {  	_ =	shalt  }
0x64: {  	_ =	shalt  }
0x65: {  	_ =	shalt  }
0x66: {  	_ =	shalt  }
0x67: {  	_ =	shalt  }
0x68: {  	_ =	shalt  }
0x69: {  	_ =	shalt  }
0x6a: {  	_ =	shalt  }
0x6b: {  	_ =	shalt  }
0x6c: {  	_ =	shalt  }
0x6d: {  	_ =	shalt  }
0x6e: {  	_ =	shalt  }
0x6f: {  	_ =	shalt  }
0x70: {  	_ =	shalt  }
0x71: {  	_ =	shalt  }
0x72: {  	_ =	shalt  }
0x73: {  	_ =	shalt  }
0x74: {  	_ =	shalt  }
0x75: {  	_ =	shalt  }
0x76: {  	_ =	shalt  }
0x77: {  	_ =	shalt  }
0x78: {  	_ =	shalt  }
0x79: {  	_ =	shalt  }
0x7a: {  	_ =	shalt  }
0x7b: {  	_ =	shalt  }
0x7c: {  	_ =	shalt  }
0x7d: {  	_ =	shalt  }
0x7e: {  	_ =	shalt  }
0x7f: {  	_ =	shalt  }
0x80: {  	_ =	shalt  }
0x81: {  	_ =	shalt  }
0x82: {  	_ =	shalt  }
0x83: {  	_ =	shalt  }
0x84: {  	_ =	shalt  }
0x85: {  	_ =	shalt  }
0x86: {  	_ =	shalt  }
0x87: {  	_ =	shalt  }
.Lfunc_end0:
.L_simem_size_0:
called_computation_lowered:
.L_overlay_start_0:
0x88: {  	s2 =	sld [smem:$0x3FD9]  }
0x89: {  	s3 =	sld [smem:$0x3FFE];
	_ =	sdelay $0x1  }
0x8a: {  	s1 =	srdreg.scid  }
0x8b: {  	s0 =	sand.u32 $0x1, s1  }
0x8c: {  	s17 =	sshll.u32 s0, $0xA;
	s2 =	sadd.s32 s3, s2  }
0x8d: {  	s2 =	sadd.s32 s2, s17  }
0x8e: {  	[smem:$0x3FC5] =	sst s2  }
0x8f: {  	_ = 	snop  }
0x90: {  	s2 =	sld [smem:$0x3FD0];
	(tm) =	ssettm $0x1  }
0x91: {  	s18 =	sld [smem:$0x3FFB];
	_ =	sdelay $0x3  }
0x92: {  	_ =	strace s18  }
0x93: {  	s3 =	sld [smem:$0x3FFC];
	_ =	sdelay $0x3  }
0x94: {  	_ =	strace s3  }
0x95: {  	s3 =	sld [smem:$0x3FFD];
	_ =	sdelay $0x3  }
0x96: {  	_ =	strace s3  }
0x97: {  	_ =	strace $0x8FFFFFFF  }
0x98: {  	s19 =	sld [smem:$0x3FDB];
	_ =	sdelay $0x1  }
0x99: {  	s4 =	simm.s32 $_scs_section_size  }
0x9a: {  	s5 =	simm.s32 $_size__tile_overlayer_lowered;
	s6 =	simm.s32 $_tile_overlayer_lowered  }
0x9b: {  	s22 =	simm.s32 $0x1BFF;
	s21 =	sshll.u32 s6, $0x1;
	s3 =	sadd.s32 s4, s19  }
0x9c: {  	s7 =	simm.s32 $0x0;
	s20 =	sshll.u32 s5, $0x1;
	s5 =	sadd.s32 s21, s3  }
0x9d: {  	[timem:s7], [sflag:s22] =	dma.local [hbm:s5], s20  }
0x9e: {  	_ =	swait.ge [sflag:s22], s20  }
0x9f: {  	s4 =	ssub.s32 $0x0, s20;
	[sflag:s22] =	ssyncset.done $0x0  }
0xa0: {  	[sflag:s22] =	ssyncadd.s32 s4;
	_ =	sdelay $0x1  }
0xa1: {  	s23 =	simm.s32 $0x1B8B  }
0xa2: {  	_ =	swait.ge [sflag:s23], $0x1  }
0xa3: {  	[sflag:s23] =	ssyncset.done $0x0  }
0xa4: {  	s25 =	simm.s32 $0x1B8E;
	s24 =	sld [smem:$0x3FFE];
	[sflag:s23] =	ssyncadd.s32 $0xFFFFFFFF  }
0xa5: {  	s26 =	simm.s32 $execute0_lowered;
	[smem:$0x3FD2] =	sst s25  }
0xa6: {  	s5 =	sshll.u32 s26, $0x1;
	_ =	strace $0x80000046;
	[dreg:$0x1] =	wrdreg $0xFFFFFFFF  }
0xa7: {  	s28 =	simm.s32 $_size_execute0_lowered;
	s3 =	sadd.s32 s3, s5;
	[dreg:$0x0] =	wrdreg $0x0  }
0xa8: {  	s5 =	sshll.u32 s28, $0x1;
	[dreg:$0x2] =	wrdreg s3  }
0xa9: {  	[dreg:$0x3] =	wrdreg s5  }
0xaa: {  	[dreg:$0x4] =	wrdreg $0xC0  }
0xab: {  	_ =	task [dreg:s7], $0x5FFFF  }
0xac: {  	[dreg:$0x1] =	wrdreg $0xFFFFFFFF  }
0xad: {  	[dreg:$0x0] =	wrdreg $0x60  }
0xae: {  	[dreg:$0x2] =	wrdreg s24  }
0xaf: {  	[dreg:$0x3] =	wrdreg s2  }
0xb0: {  	[dreg:$0x4] =	wrdreg $0x9  }
0xb1: {  	_ =	task.clear_ibuf [dreg:s7], $0x5FFFF;
	_ =	strace $0x90000046  }
0xb2: {  	s29 =	simm.s32 $0x9;
	_ =	strace $0x80000048  }
0xb3: {  	_ =	swait.ge [sflag:s29], $0x1  }
0xb4: {  	[sflag:s29] =	ssyncadd.s32 $0xFFFFFFFF  }
0xb5: {  	_ =	strace $0x90000048  }
0xb6: {  	_ =	sfence  }
0xb7: {  	s30 =	sld [smem:$0x0];
	_ =	sdelay $0x2  }
0xb8: {  	s31 =	sshll.u32 s1, $0xD;
	s1 =	sshrl.u32 s1, $0x2  }
0xb9: {  	s3 =	sand.u32 $0x4000, s31;
	s1 =	sadd.s32 s1, s30  }
0xba: {  	s0 =	sor.u32 s3, s0;
	s1 =	sshll.u32 s1, $0x11  }
0xbb: {  	s0 =	sor.u32 s1, s0  }
0xbc: {  	s0 =	sadd.s32 $0x8F2B, s0  }
0xbd: {  	[sflag:s0] =	ssyncadd.remote.s32 $0x1  }
0xbe: {  	_ =	sfence.sel $0xFFFF  }
0xbf: {  	[dreg:$0x0] =	wrdreg $0xFFFFFFFF;
	(pc) =	sbr.abs _section_cstart, $3  }
0xc0: {  	[dreg:$0x1] =	wrdreg $0xFFFFFFFF  }
0xc1: {  	_ =	task.clear_ibuf [dreg:s7], $0x2FFFF;
	_ =	strace $0x9FFFFFFF  }
0xc2: {  	(tm) =	ssettm $0x7FFFFFFF  }
0xc3: {  	_ =	shalt  }
tec
execute0_lowered:
.L_overlay_start_1:
0x0: {  	(tag) =	ssettag $0x1  }
0x1: {  	v0 =	vlaneseq.u32  }
0x2: {  	s4 =	rddreg [dreg:$0x0];
	v0 =	vand.u32 $0x1, v0  }
0x3: {  	s8 =	rddreg [dreg:$0x1];
	s1 =	simm.s32 $0x0;
	v1 =	vmul.u32 $0x40, v0  }
0x4: {  	[smem:$0x7FF] =	sst s1  }
0x5: {  	s0 =	rddreg [dreg:$0x2];
	_ =	strace $0x80000047;
	v0 =	vor.u32 $0x20, v1;
	[tilespmem:$0x1FE00] =	vst v1  }
0x6: {  	v7 =	vor.u32 $0x1, v1;
	[tilespmem:$0x1FDB0] =	vst v0  }
0x7: {  	v8 =	vor.u32 $0x2, v1;
	[tilespmem:$0x1FE10] =	vst v7  }
0x8: {  	v9 =	vor.u32 $0x3, v1;
	[tilespmem:$0x1FE20] =	vst v8  }
0x9: {  	v10 =	vor.u32 $0x4, v1;
	[tilespmem:$0x1FE30] =	vst v9  }
0xa: {  	v11 =	vor.u32 $0x5, v1;
	[tilespmem:$0x1FE40] =	vst v10  }
0xb: {  	v12 =	vor.u32 $0x6, v1;
	[tilespmem:$0x1FE50] =	vst v11  }
0xc: {  	v13 =	vor.u32 $0x7, v1;
	[tilespmem:$0x1FE60] =	vst v12  }
0xd: {  	v14 =	vor.u32 $0x8, v1;
	[tilespmem:$0x1FE70] =	vst v13  }
0xe: {  	v15 =	vor.u32 $0x9, v1;
	[tilespmem:$0x1FE80] =	vst v14  }
0xf: {  	v16 =	vor.u32 $0xA, v1;
	[tilespmem:$0x1FE90] =	vst v15  }
0x10: {  	v17 =	vor.u32 $0xB, v1;
	[tilespmem:$0x1FEA0] =	vst v16  }
0x11: {  	v18 =	vor.u32 $0xC, v1;
	[tilespmem:$0x1FEB0] =	vst v17  }
0x12: {  	v19 =	vor.u32 $0xD, v1;
	[tilespmem:$0x1FEC0] =	vst v18  }
0x13: {  	v20 =	vor.u32 $0xE, v1;
	[tilespmem:$0x1FED0] =	vst v19  }
0x14: {  	v21 =	vor.u32 $0xF, v1;
	[tilespmem:$0x1FEE0] =	vst v20  }
0x15: {  	v22 =	vor.u32 $0x10, v1;
	[tilespmem:$0x1FEF0] =	vst v21  }
0x16: {  	v23 =	vor.u32 $0x11, v1;
	[tilespmem:$0x1FF00] =	vst v22  }
0x17: {  	v24 =	vor.u32 $0x12, v1;
	[tilespmem:$0x1FF10] =	vst v23  }
0x18: {  	v25 =	vor.u32 $0x13, v1;
	[tilespmem:$0x1FF20] =	vst v24  }
0x19: {  	v26 =	vor.u32 $0x14, v1;
	[tilespmem:$0x1FF30] =	vst v25  }
0x1a: {  	v27 =	vor.u32 $0x15, v1;
	[tilespmem:$0x1FF40] =	vst v26  }
0x1b: {  	v28 =	vor.u32 $0x16, v1;
	[tilespmem:$0x1FF50] =	vst v27  }
0x1c: {  	v29 =	vor.u32 $0x17, v1;
	[tilespmem:$0x1FF60] =	vst v28  }
0x1d: {  	v6 =	vlaneseq.u32;
	v30 =	vor.u32 $0x18, v1;
	v31 =	vor.u32 $0x19, v1;
	[tilespmem:$0x1FF70] =	vst v29  }
0x1e: {  	s3 =	srdreg.scid;
	s14 =	simm.s32 $0x400;
	v32 =	vor.u32 $0x1A, v1;
	v33 =	vor.u32 $0x1B, v1;
	v34 =	vor.u32 $0x1C, v1;
	[tilespmem:$0x1FF80] =	vst v30  }
0x1f: {  	s2 =	stileid.u32;
	s15 =	simm.s32 $0x4400;
	s17 =	simm.s32 $0x8400;
	v35 =	vor.u32 $0x1D, v1;
	v36 =	vor.u32 $0x1E, v1;
	v37 =	vor.u32 $0x1F, v1;
	[tilespmem:$0x1FF90] =	vst v31  }
0x20: {  	s16 =	simm.s32 $0x100;
	s18 =	simm.s32 $0x180;
	s19 =	simm.s32 $0xC400;
	v38 =	vor.u32 $0x25, v1;
	v39 =	vor.u32 $0x26, v1;
	v40 =	vor.u32 $0x27, v1;
	[tilespmem:$0x1FFA0] =	vst v32  }
0x21: {  	s20 =	simm.s32 $0x1;
	s21 =	simm.s32 $0x10400;
	s22 =	simm.s32 $0x0;
	v41 =	vor.u32 $0x28, v1;
	v42 =	vor.u32 $0x29, v1;
	v43 =	vor.u32 $0x2A, v1;
	[tilespmem:$0x1FFB0] =	vst v33  }
0x22: {  	s7 =	sadd.s32 $0x1600, s4;
	s9 =	sadd.s32 $0x600, s4;
	s10 =	sand.u32 $0x1, s3;
	v44 =	vor.u32 $0x2B, v1;
	v45 =	vor.u32 $0x2C, v1;
	v46 =	vor.u32 $0x2D, v1;
	[tilespmem:$0x1FFC0] =	vst v34  }
0x23: {  	s11 =	sshll.u32 s2, $0x7;
	s3 =	sadd.s32 $0x2600, s4;
	s5 =	ssub.s32 $0x2, s10;
	v47 =	vor.u32 $0x2E, v1;
	v48 =	vor.u32 $0x2F, v1;
	v49 =	vor.u32 $0x30, v1;
	[tilespmem:$0x1FFD0] =	vst v35  }
0x24: {  	s4 =	sadd.s32 $0x3E2600, s4;
	s6 =	sshll.u32 s10, $0x6;
	s12 =	sshrl.u32 s5, $0x1;
	v50 =	vor.u32 $0x31, v1;
	v51 =	vor.u32 $0x32, v1;
	v52 =	vor.u32 $0x33, v1;
	[tilespmem:$0x1FFE0] =	vst v36  }
0x25: {  	s10 =	sshll.u32 s10, $0xC;
	s11 =	sor.u32 s6, s11;
	s12 =	ssub.s32 s5, s12;
	v53 =	vor.u32 $0x34, v1;
	v54 =	vor.u32 $0x35, v1;
	v0 =	vor.u32 $0x21, v1;
	[tilespmem:$0x1FFF0] =	vst v37  }
0x26: {  	s5 =	sadd.s32 s7, s11;
	s6 =	sadd.s32 s9, s11;
	s11 =	sor.u32 $0x800, s11;
	v55 =	vor.u32 $0x36, v1;
	v56 =	vor.u32 $0x37, v1;
	[tilespmem:$0x1FDC0] =	vst v0;
	v0 =	vor.u32 $0x22, v1  }
0x27: {  	s13 =	sshll.u32 s2, $0xD;
	s10 =	sadd.s32 s8, s10;
	v57 =	vor.u32 $0x38, v1;
	v58 =	vor.u32 $0x39, v1;
	s7 =	sadd.s32 s7, s11;
	[tilespmem:$0x1FDD0] =	vst v0;
	v0 =	vor.u32 $0x23, v1  }
0x28: {  	v59 =	vor.u32 $0x3A, v1;
	v60 =	vor.u32 $0x3B, v1;
	s8 =	sadd.s32 s9, s11;
	s9 =	sadd.s32 s13, s10;
	s10 =	smax.u32 s12, $0x1;
	[tilespmem:$0x1FDE0] =	vst v0;
	v0 =	vor.u32 $0x24, v1  }
0x29: {  	v61 =	vor.u32 $0x3C, v1;
	v62 =	vor.u32 $0x3D, v1;
	v63 =	vor.u32 $0x3E, v1;
	s11 =	simm.s32 $0x2;
	s12 =	simm.s32 $0x200;
	s13 =	simm.s32 $0x80;
	[tilespmem:$0x1FDF0] =	vst v0  }
.LBB2_1:
0x2a: {  	[tilespmem:s1], [sflag:$0x2] =	stream.linear.gather [hbm4b:s5+s1], $0x200, $0x38;
	[tilespmem:$0x18400] =	vst v63  }
0x2b: {  	_ =	swait.ge [sflag:s11], $0x200  }
0x2c: {  	[sflag:s11] =	ssyncset.done $0x0  }
0x2d: {  	[sflag:s11] =	ssyncadd.s32 $0xFFFFFE00  }
0x2e: {  	[tilespmem:s12], [sflag:$0x2] =	stream.linear.gather [hbm4b:s6+s1], $0x200, $0x38;
	[tilespmem:$0x18400] =	vst v63  }
0x2f: {  	_ =	swait.ge [sflag:s11], $0x200  }
0x30: {  	[sflag:s11] =	ssyncset.done $0x0  }
0x31: {  	[sflag:s11] =	ssyncadd.s32 $0xFFFFFE00  }
0x32: {  	[tilespmem:s14], [sflag:$0x1] =	stream.indirect.gather [hbm4b:s3+s13], $0x80, s1, s13, $0xb8;
	[tilespmem:$0x18400] =	vst v63  }
0x33: {  	_ = 	snop  }
0x34: {  	[tilespmem:s15], [sflag:$0x1] =	stream.indirect.gather [hbm4b:s3+s13], $0x80, s13, s13, $0xb8;
	[tilespmem:$0x18400] =	vst v63  }
0x35: {  	_ = 	snop  }
0x36: {  	[tilespmem:s17], [sflag:$0x1] =	stream.indirect.gather [hbm4b:s3+s13], $0x80, s16, s13, $0xb8;
	[tilespmem:$0x18400] =	vst v63  }
0x37: {  	_ = 	snop  }
0x38: {  	[tilespmem:s19], [sflag:$0x1] =	stream.indirect.gather [hbm4b:s3+s13], $0x80, s18, s13, $0xb8;
	[tilespmem:$0x18400] =	vst v63  }
0x39: {  	_ =	swait.ge [sflag:s20], $0x4000  }
0x3a: {  	[sflag:s20] =	ssyncset.done $0x0  }
0x3b: {  	[sflag:s20] =	ssyncadd.s32 $0xFFFFC000  }
0x3c: {  	_ =	swait.ge [sflag:s20], $0x4000  }
0x3d: {  	[sflag:s20] =	ssyncset.done $0x0  }
0x3e: {  	[sflag:s20] =	ssyncadd.s32 $0xFFFFC000  }
0x3f: {  	_ =	swait.ge [sflag:s20], $0x4000  }
0x40: {  	[sflag:s20] =	ssyncset.done $0x0  }
0x41: {  	[sflag:s20] =	ssyncadd.s32 $0xFFFFC000  }
0x42: {  	s23 =	sand.u32 $0x600, s1;
	_ =	swait.ge [sflag:s20], $0x4000  }
0x43: {  	s24 =	sand.u32 $0x70, s1;
	s23 =	sshrl.u32 s23, $0x2;
	[sflag:s20] =	ssyncset.done $0x0  }
0x44: {  	s23 =	sor.u32 s24, s23;
	[sflag:s20] =	ssyncadd.s32 $0xFFFFC000  }
0x45: {  	v0 =	vld [tilespmem:s23+$0x200];
	_ =	sdelay $0x4  }
0x46: {  	v2 =	vor.u32 s1, v6;
	v0 =	vshll.u32 v0, $0x5  }
0x47: {  	v3 =	vshll.u32 v2, $0x7;
	v4 =	vand.u32 $0xFFFFFF80, v0  }
0x48: {  	v0 =	vand.u32 $0x60, v0;
	v3 =	vadd.s32 v3, v4  }
0x49: {  	v3 =	vor.u32 v0, v3;
	_ =	sdelay $0x2  }
0x4a: {  	v0 =	vshll.u32 v2, $0x6  }
0x4b: {  	v0 =	vand.u32 $0x7F80, v0  }
0x4c: {  	v2 =	vor.u32 v1, v0;
	v4 =	vld.idx.msk [tilespmem:v3+s14+$0x0], $0xffff  }
0x4d: {  	v5 =	vor.u32 $0x1, v3;
	_ =	sdelay $0x3  }
0x4e: {  	[tilespmem:v2+s21+$0x0] =	vst.idx.msk $0xffff, v4  }
0x4f: {  	v2 =	vor.u32 v7, v0;
	v4 =	vld.idx.msk [tilespmem:v5+s14+$0x0], $0xffff  }
0x50: {  	v5 =	vor.u32 $0x2, v3;
	_ =	sdelay $0x3  }
0x51: {  	[tilespmem:v2+s21+$0x0] =	vst.idx.msk $0xffff, v4  }
0x52: {  	v2 =	vor.u32 v8, v0;
	v4 =	vld.idx.msk [tilespmem:v5+s14+$0x0], $0xffff  }
0x53: {  	v5 =	vor.u32 $0x3, v3;
	_ =	sdelay $0x3  }
0x54: {  	[tilespmem:v2+s21+$0x0] =	vst.idx.msk $0xffff, v4  }
0x55: {  	v2 =	vor.u32 v9, v0;
	v4 =	vld.idx.msk [tilespmem:v5+s14+$0x0], $0xffff  }
0x56: {  	v5 =	vor.u32 $0x4, v3;
	_ =	sdelay $0x3  }
0x57: {  	[tilespmem:v2+s21+$0x0] =	vst.idx.msk $0xffff, v4  }
0x58: {  	v2 =	vor.u32 v10, v0;
	v4 =	vld.idx.msk [tilespmem:v5+s14+$0x0], $0xffff  }
0x59: {  	v5 =	vor.u32 $0x5, v3;
	_ =	sdelay $0x3  }
0x5a: {  	[tilespmem:v2+s21+$0x0] =	vst.idx.msk $0xffff, v4  }
0x5b: {  	v2 =	vor.u32 v11, v0;
	v4 =	vld.idx.msk [tilespmem:v5+s14+$0x0], $0xffff  }
0x5c: {  	v5 =	vor.u32 $0x6, v3;
	_ =	sdelay $0x3  }
0x5d: {  	[tilespmem:v2+s21+$0x0] =	vst.idx.msk $0xffff, v4  }
0x5e: {  	v2 =	vor.u32 v12, v0;
	v4 =	vld.idx.msk [tilespmem:v5+s14+$0x0], $0xffff  }
0x5f: {  	v5 =	vor.u32 $0x7, v3;
	_ =	sdelay $0x3  }
0x60: {  	[tilespmem:v2+s21+$0x0] =	vst.idx.msk $0xffff, v4  }
0x61: {  	v2 =	vor.u32 v13, v0;
	v4 =	vld.idx.msk [tilespmem:v5+s14+$0x0], $0xffff  }
0x62: {  	v5 =	vor.u32 $0x8, v3;
	_ =	sdelay $0x3  }
0x63: {  	[tilespmem:v2+s21+$0x0] =	vst.idx.msk $0xffff, v4  }
0x64: {  	v2 =	vor.u32 v14, v0;
	v4 =	vld.idx.msk [tilespmem:v5+s14+$0x0], $0xffff  }
0x65: {  	v5 =	vor.u32 $0x9, v3;
	_ =	sdelay $0x3  }
0x66: {  	[tilespmem:v2+s21+$0x0] =	vst.idx.msk $0xffff, v4  }
0x67: {  	v2 =	vor.u32 v15, v0;
	v4 =	vld.idx.msk [tilespmem:v5+s14+$0x0], $0xffff  }
0x68: {  	v5 =	vor.u32 $0xA, v3;
	_ =	sdelay $0x3  }
0x69: {  	[tilespmem:v2+s21+$0x0] =	vst.idx.msk $0xffff, v4  }
0x6a: {  	v2 =	vor.u32 v16, v0;
	v4 =	vld.idx.msk [tilespmem:v5+s14+$0x0], $0xffff  }
0x6b: {  	v5 =	vor.u32 $0xB, v3;
	_ =	sdelay $0x3  }
0x6c: {  	[tilespmem:v2+s21+$0x0] =	vst.idx.msk $0xffff, v4  }
0x6d: {  	v2 =	vor.u32 v17, v0;
	v4 =	vld.idx.msk [tilespmem:v5+s14+$0x0], $0xffff  }
0x6e: {  	v5 =	vor.u32 $0xC, v3;
	_ =	sdelay $0x3  }
0x6f: {  	[tilespmem:v2+s21+$0x0] =	vst.idx.msk $0xffff, v4  }
0x70: {  	v2 =	vor.u32 v18, v0;
	v4 =	vld.idx.msk [tilespmem:v5+s14+$0x0], $0xffff  }
0x71: {  	v5 =	vor.u32 $0xD, v3;
	_ =	sdelay $0x3  }
0x72: {  	[tilespmem:v2+s21+$0x0] =	vst.idx.msk $0xffff, v4  }
0x73: {  	v2 =	vor.u32 v19, v0;
	v4 =	vld.idx.msk [tilespmem:v5+s14+$0x0], $0xffff  }
0x74: {  	v5 =	vor.u32 $0xE, v3;
	_ =	sdelay $0x3  }
0x75: {  	[tilespmem:v2+s21+$0x0] =	vst.idx.msk $0xffff, v4  }
0x76: {  	v2 =	vor.u32 v20, v0;
	v4 =	vld.idx.msk [tilespmem:v5+s14+$0x0], $0xffff  }
0x77: {  	v5 =	vor.u32 $0xF, v3;
	_ =	sdelay $0x3  }
0x78: {  	[tilespmem:v2+s21+$0x0] =	vst.idx.msk $0xffff, v4  }
0x79: {  	v2 =	vor.u32 v21, v0;
	v4 =	vld.idx.msk [tilespmem:v5+s14+$0x0], $0xffff  }
0x7a: {  	v5 =	vor.u32 $0x10, v3;
	_ =	sdelay $0x3  }
0x7b: {  	[tilespmem:v2+s21+$0x0] =	vst.idx.msk $0xffff, v4  }
0x7c: {  	v2 =	vor.u32 v22, v0;
	v4 =	vld.idx.msk [tilespmem:v5+s14+$0x0], $0xffff  }
0x7d: {  	v5 =	vor.u32 $0x11, v3;
	_ =	sdelay $0x3  }
0x7e: {  	[tilespmem:v2+s21+$0x0] =	vst.idx.msk $0xffff, v4  }
0x7f: {  	v2 =	vor.u32 v23, v0;
	v4 =	vld.idx.msk [tilespmem:v5+s14+$0x0], $0xffff  }
0x80: {  	v5 =	vor.u32 $0x12, v3;
	_ =	sdelay $0x3  }
0x81: {  	[tilespmem:v2+s21+$0x0] =	vst.idx.msk $0xffff, v4  }
0x82: {  	v2 =	vor.u32 v24, v0;
	v4 =	vld.idx.msk [tilespmem:v5+s14+$0x0], $0xffff  }
0x83: {  	v5 =	vor.u32 $0x13, v3;
	_ =	sdelay $0x3  }
0x84: {  	[tilespmem:v2+s21+$0x0] =	vst.idx.msk $0xffff, v4  }
0x85: {  	v2 =	vor.u32 v25, v0;
	v4 =	vld.idx.msk [tilespmem:v5+s14+$0x0], $0xffff  }
0x86: {  	v5 =	vor.u32 $0x14, v3;
	_ =	sdelay $0x3  }
0x87: {  	[tilespmem:v2+s21+$0x0] =	vst.idx.msk $0xffff, v4  }
0x88: {  	v2 =	vor.u32 v26, v0;
	v4 =	vld.idx.msk [tilespmem:v5+s14+$0x0], $0xffff  }
0x89: {  	v5 =	vor.u32 $0x15, v3;
	_ =	sdelay $0x3  }
0x8a: {  	[tilespmem:v2+s21+$0x0] =	vst.idx.msk $0xffff, v4  }
0x8b: {  	v2 =	vor.u32 v27, v0;
	v4 =	vld.idx.msk [tilespmem:v5+s14+$0x0], $0xffff  }
0x8c: {  	v5 =	vor.u32 $0x16, v3;
	_ =	sdelay $0x3  }
0x8d: {  	[tilespmem:v2+s21+$0x0] =	vst.idx.msk $0xffff, v4  }
0x8e: {  	v2 =	vor.u32 v28, v0;
	v4 =	vld.idx.msk [tilespmem:v5+s14+$0x0], $0xffff  }
0x8f: {  	v5 =	vor.u32 $0x17, v3;
	_ =	sdelay $0x3  }
0x90: {  	[tilespmem:v2+s21+$0x0] =	vst.idx.msk $0xffff, v4  }
0x91: {  	v2 =	vor.u32 v29, v0;
	v4 =	vld.idx.msk [tilespmem:v5+s14+$0x0], $0xffff  }
0x92: {  	v5 =	vor.u32 $0x18, v3;
	_ =	sdelay $0x3  }
0x93: {  	[tilespmem:v2+s21+$0x0] =	vst.idx.msk $0xffff, v4  }
0x94: {  	v2 =	vor.u32 v30, v0;
	v4 =	vld.idx.msk [tilespmem:v5+s14+$0x0], $0xffff  }
0x95: {  	v5 =	vor.u32 $0x19, v3;
	_ =	sdelay $0x3  }
0x96: {  	[tilespmem:v2+s21+$0x0] =	vst.idx.msk $0xffff, v4  }
0x97: {  	v2 =	vor.u32 v31, v0;
	v4 =	vld.idx.msk [tilespmem:v5+s14+$0x0], $0xffff  }
0x98: {  	v5 =	vor.u32 $0x1A, v3;
	_ =	sdelay $0x3  }
0x99: {  	[tilespmem:v2+s21+$0x0] =	vst.idx.msk $0xffff, v4  }
0x9a: {  	v2 =	vor.u32 v32, v0;
	v4 =	vld.idx.msk [tilespmem:v5+s14+$0x0], $0xffff  }
0x9b: {  	v5 =	vor.u32 $0x1B, v3;
	_ =	sdelay $0x3  }
0x9c: {  	[tilespmem:v2+s21+$0x0] =	vst.idx.msk $0xffff, v4  }
0x9d: {  	v2 =	vor.u32 v33, v0;
	v4 =	vld.idx.msk [tilespmem:v5+s14+$0x0], $0xffff  }
0x9e: {  	v5 =	vor.u32 $0x1C, v3;
	_ =	sdelay $0x3  }
0x9f: {  	[tilespmem:v2+s21+$0x0] =	vst.idx.msk $0xffff, v4  }
0xa0: {  	v2 =	vor.u32 v34, v0;
	v4 =	vld.idx.msk [tilespmem:v5+s14+$0x0], $0xffff  }
0xa1: {  	v5 =	vor.u32 $0x1D, v3;
	_ =	sdelay $0x3  }
0xa2: {  	[tilespmem:v2+s21+$0x0] =	vst.idx.msk $0xffff, v4  }
0xa3: {  	v2 =	vor.u32 v35, v0;
	v4 =	vld.idx.msk [tilespmem:v5+s14+$0x0], $0xffff  }
0xa4: {  	v5 =	vor.u32 $0x1E, v3;
	_ =	sdelay $0x3  }
0xa5: {  	[tilespmem:v2+s21+$0x0] =	vst.idx.msk $0xffff, v4  }
0xa6: {  	v2 =	vor.u32 v36, v0;
	v4 =	vld.idx.msk [tilespmem:v5+s14+$0x0], $0xffff  }
0xa7: {  	v3 =	vor.u32 $0x1F, v3;
	_ =	sdelay $0x3  }
0xa8: {  	[tilespmem:v2+s21+$0x0] =	vst.idx.msk $0xffff, v4  }
0xa9: {  	v0 =	vor.u32 v37, v0;
	v2 =	vld.idx.msk [tilespmem:v3+s14+$0x0], $0xffff  }
0xaa: {  	s31 =	simm.s32 $0x40  }
0xab: {  	s26 =	sand.u32 $0x600, s31;
	s23 =	simm.s32 $0x10  }
0xac: {  	s24 =	simm.s32 $0x80;
	s26 =	sshrl.u32 s26, $0x2;
	s25 =	sand.u32 $0x70, s23  }
.LBB2_2:
0xad: {  	p0 =	sne.s32 s24, $0x7C0  }
0xae: {  	s26 =	sor.u32 s25, s26;
	[tilespmem:v0+s21+$0x0] =	vst.idx.msk $0xffff, v2;
	s25 =	smov.u32 s24;
	s24 =	sadd.s32 $0x40, s24  }
0xaf: {  	v0 =	vld [tilespmem:s26+$0x200];
	_ =	sdelay $0x4  }
0xb0: {  	v2 =	vor.u32 s23, v6;
	v0 =	vshll.u32 v0, $0x5  }
0xb1: {  	v4 =	vshll.u32 v2, $0x7;
	v2 =	vshll.u32 v2, $0x6;
	v3 =	vand.u32 $0xFFFFFF80, v0  }
0xb2: {  	v5 =	vand.u32 $0x60, v0;
	v0 =	vand.u32 $0x7F80, v2;
	v3 =	vadd.s32 v4, v3  }
0xb3: {  	v2 =	vor.u32 v5, v3;
	_ =	sdelay $0x4  }
0xb4: {  	v3 =	vld.idx.msk [tilespmem:v2+s14+$0x0], $0xffff  }
0xb5: {  	v4 =	vor.u32 v1, v0  }
0xb6: {  	v5 =	vor.u32 $0x1, v2;
	_ =	sdelay $0x3  }
0xb7: {  	[tilespmem:v4+s21+$0x0] =	vst.idx.msk $0xffff, v3  }
0xb8: {  	v3 =	vld.idx.msk [tilespmem:v5+s14+$0x0], $0xffff  }
0xb9: {  	v4 =	vor.u32 v7, v0  }
0xba: {  	v5 =	vor.u32 $0x2, v2;
	_ =	sdelay $0x3  }
0xbb: {  	[tilespmem:v4+s21+$0x0] =	vst.idx.msk $0xffff, v3  }
0xbc: {  	v3 =	vld.idx.msk [tilespmem:v5+s14+$0x0], $0xffff  }
0xbd: {  	v4 =	vor.u32 v8, v0  }
0xbe: {  	v5 =	vor.u32 $0x3, v2;
	_ =	sdelay $0x3  }
0xbf: {  	[tilespmem:v4+s21+$0x0] =	vst.idx.msk $0xffff, v3  }
0xc0: {  	v3 =	vld.idx.msk [tilespmem:v5+s14+$0x0], $0xffff  }
0xc1: {  	v4 =	vor.u32 v9, v0  }
0xc2: {  	v5 =	vor.u32 $0x4, v2;
	_ =	sdelay $0x3  }
0xc3: {  	[tilespmem:v4+s21+$0x0] =	vst.idx.msk $0xffff, v3  }
0xc4: {  	v3 =	vld.idx.msk [tilespmem:v5+s14+$0x0], $0xffff  }
0xc5: {  	v4 =	vor.u32 v10, v0  }
0xc6: {  	v5 =	vor.u32 $0x5, v2;
	_ =	sdelay $0x3  }
0xc7: {  	[tilespmem:v4+s21+$0x0] =	vst.idx.msk $0xffff, v3  }
0xc8: {  	v3 =	vld.idx.msk [tilespmem:v5+s14+$0x0], $0xffff  }
0xc9: {  	v4 =	vor.u32 v11, v0  }
0xca: {  	v5 =	vor.u32 $0x6, v2;
	_ =	sdelay $0x3  }
0xcb: {  	[tilespmem:v4+s21+$0x0] =	vst.idx.msk $0xffff, v3  }
0xcc: {  	v3 =	vld.idx.msk [tilespmem:v5+s14+$0x0], $0xffff  }
0xcd: {  	v4 =	vor.u32 v12, v0  }
0xce: {  	v5 =	vor.u32 $0x7, v2;
	_ =	sdelay $0x3  }
0xcf: {  	[tilespmem:v4+s21+$0x0] =	vst.idx.msk $0xffff, v3  }
0xd0: {  	v3 =	vld.idx.msk [tilespmem:v5+s14+$0x0], $0xffff  }
0xd1: {  	v4 =	vor.u32 v13, v0  }
0xd2: {  	v5 =	vor.u32 $0x8, v2;
	_ =	sdelay $0x3  }
0xd3: {  	[tilespmem:v4+s21+$0x0] =	vst.idx.msk $0xffff, v3  }
0xd4: {  	v3 =	vld.idx.msk [tilespmem:v5+s14+$0x0], $0xffff  }
0xd5: {  	v4 =	vor.u32 v14, v0  }
0xd6: {  	v5 =	vor.u32 $0x9, v2;
	_ =	sdelay $0x3  }
0xd7: {  	[tilespmem:v4+s21+$0x0] =	vst.idx.msk $0xffff, v3  }
0xd8: {  	v3 =	vld.idx.msk [tilespmem:v5+s14+$0x0], $0xffff  }
0xd9: {  	v4 =	vor.u32 v15, v0  }
0xda: {  	v5 =	vor.u32 $0xA, v2;
	_ =	sdelay $0x3  }
0xdb: {  	[tilespmem:v4+s21+$0x0] =	vst.idx.msk $0xffff, v3  }
0xdc: {  	v3 =	vld.idx.msk [tilespmem:v5+s14+$0x0], $0xffff  }
0xdd: {  	v4 =	vor.u32 v16, v0  }
0xde: {  	v5 =	vor.u32 $0xB, v2;
	_ =	sdelay $0x3  }
0xdf: {  	[tilespmem:v4+s21+$0x0] =	vst.idx.msk $0xffff, v3  }
0xe0: {  	v3 =	vld.idx.msk [tilespmem:v5+s14+$0x0], $0xffff  }
0xe1: {  	v4 =	vor.u32 v17, v0  }
0xe2: {  	v5 =	vor.u32 $0xC, v2;
	_ =	sdelay $0x3  }
0xe3: {  	[tilespmem:v4+s21+$0x0] =	vst.idx.msk $0xffff, v3  }
0xe4: {  	v3 =	vld.idx.msk [tilespmem:v5+s14+$0x0], $0xffff  }
0xe5: {  	v4 =	vor.u32 v18, v0  }
0xe6: {  	v5 =	vor.u32 $0xD, v2;
	_ =	sdelay $0x3  }
0xe7: {  	[tilespmem:v4+s21+$0x0] =	vst.idx.msk $0xffff, v3  }
0xe8: {  	v3 =	vld.idx.msk [tilespmem:v5+s14+$0x0], $0xffff  }
0xe9: {  	v4 =	vor.u32 v19, v0  }
0xea: {  	v5 =	vor.u32 $0xE, v2;
	_ =	sdelay $0x3  }
0xeb: {  	[tilespmem:v4+s21+$0x0] =	vst.idx.msk $0xffff, v3  }
0xec: {  	v3 =	vld.idx.msk [tilespmem:v5+s14+$0x0], $0xffff  }
0xed: {  	v4 =	vor.u32 v20, v0  }
0xee: {  	v5 =	vor.u32 $0xF, v2;
	_ =	sdelay $0x3  }
0xef: {  	[tilespmem:v4+s21+$0x0] =	vst.idx.msk $0xffff, v3  }
0xf0: {  	v3 =	vld.idx.msk [tilespmem:v5+s14+$0x0], $0xffff  }
0xf1: {  	v4 =	vor.u32 v21, v0  }
0xf2: {  	v5 =	vor.u32 $0x10, v2;
	_ =	sdelay $0x3  }
0xf3: {  	[tilespmem:v4+s21+$0x0] =	vst.idx.msk $0xffff, v3  }
0xf4: {  	v3 =	vld.idx.msk [tilespmem:v5+s14+$0x0], $0xffff  }
0xf5: {  	v4 =	vor.u32 v22, v0  }
0xf6: {  	v5 =	vor.u32 $0x11, v2;
	_ =	sdelay $0x3  }
0xf7: {  	[tilespmem:v4+s21+$0x0] =	vst.idx.msk $0xffff, v3  }
0xf8: {  	v3 =	vld.idx.msk [tilespmem:v5+s14+$0x0], $0xffff  }
0xf9: {  	v4 =	vor.u32 v23, v0  }
0xfa: {  	v5 =	vor.u32 $0x12, v2;
	_ =	sdelay $0x3  }
0xfb: {  	[tilespmem:v4+s21+$0x0] =	vst.idx.msk $0xffff, v3  }
0xfc: {  	v3 =	vld.idx.msk [tilespmem:v5+s14+$0x0], $0xffff  }
0xfd: {  	v4 =	vor.u32 v24, v0  }
0xfe: {  	v5 =	vor.u32 $0x13, v2;
	_ =	sdelay $0x3  }
0xff: {  	[tilespmem:v4+s21+$0x0] =	vst.idx.msk $0xffff, v3  }
0x100: {  	v3 =	vld.idx.msk [tilespmem:v5+s14+$0x0], $0xffff  }
0x101: {  	v4 =	vor.u32 v25, v0  }
0x102: {  	v5 =	vor.u32 $0x14, v2;
	_ =	sdelay $0x3  }
0x103: {  	[tilespmem:v4+s21+$0x0] =	vst.idx.msk $0xffff, v3  }
0x104: {  	v3 =	vld.idx.msk [tilespmem:v5+s14+$0x0], $0xffff  }
0x105: {  	v4 =	vor.u32 v26, v0  }
0x106: {  	v5 =	vor.u32 $0x15, v2;
	_ =	sdelay $0x3  }
0x107: {  	[tilespmem:v4+s21+$0x0] =	vst.idx.msk $0xffff, v3  }
0x108: {  	v3 =	vld.idx.msk [tilespmem:v5+s14+$0x0], $0xffff  }
0x109: {  	v4 =	vor.u32 v27, v0  }
0x10a: {  	v5 =	vor.u32 $0x16, v2;
	_ =	sdelay $0x3  }
0x10b: {  	[tilespmem:v4+s21+$0x0] =	vst.idx.msk $0xffff, v3  }
0x10c: {  	v3 =	vld.idx.msk [tilespmem:v5+s14+$0x0], $0xffff  }
0x10d: {  	v4 =	vor.u32 v28, v0  }
0x10e: {  	v5 =	vor.u32 $0x17, v2;
	_ =	sdelay $0x3  }
0x10f: {  	[tilespmem:v4+s21+$0x0] =	vst.idx.msk $0xffff, v3  }
0x110: {  	v3 =	vld.idx.msk [tilespmem:v5+s14+$0x0], $0xffff  }
0x111: {  	v4 =	vor.u32 v29, v0  }
0x112: {  	v5 =	vor.u32 $0x18, v2;
	_ =	sdelay $0x3  }
0x113: {  	[tilespmem:v4+s21+$0x0] =	vst.idx.msk $0xffff, v3  }
0x114: {  	v3 =	vld.idx.msk [tilespmem:v5+s14+$0x0], $0xffff  }
0x115: {  	v4 =	vor.u32 v30, v0  }
0x116: {  	v5 =	vor.u32 $0x19, v2;
	_ =	sdelay $0x3  }
0x117: {  	[tilespmem:v4+s21+$0x0] =	vst.idx.msk $0xffff, v3  }
0x118: {  	v3 =	vld.idx.msk [tilespmem:v5+s14+$0x0], $0xffff  }
0x119: {  	v4 =	vor.u32 v31, v0  }
0x11a: {  	v5 =	vor.u32 $0x1A, v2;
	_ =	sdelay $0x3  }
0x11b: {  	[tilespmem:v4+s21+$0x0] =	vst.idx.msk $0xffff, v3  }
0x11c: {  	v3 =	vld.idx.msk [tilespmem:v5+s14+$0x0], $0xffff  }
0x11d: {  	v4 =	vor.u32 v32, v0  }
0x11e: {  	v5 =	vor.u32 $0x1B, v2;
	_ =	sdelay $0x3  }
0x11f: {  	[tilespmem:v4+s21+$0x0] =	vst.idx.msk $0xffff, v3  }
0x120: {  	v3 =	vld.idx.msk [tilespmem:v5+s14+$0x0], $0xffff  }
0x121: {  	v4 =	vor.u32 v33, v0  }
0x122: {  	v5 =	vor.u32 $0x1C, v2;
	_ =	sdelay $0x3  }
0x123: {  	[tilespmem:v4+s21+$0x0] =	vst.idx.msk $0xffff, v3  }
0x124: {  	v3 =	vld.idx.msk [tilespmem:v5+s14+$0x0], $0xffff  }
0x125: {  	v4 =	vor.u32 v34, v0  }
0x126: {  	v5 =	vor.u32 $0x1D, v2;
	_ =	sdelay $0x3  }
0x127: {  	[tilespmem:v4+s21+$0x0] =	vst.idx.msk $0xffff, v3  }
0x128: {  	v3 =	vld.idx.msk [tilespmem:v5+s14+$0x0], $0xffff  }
0x129: {  	v4 =	vor.u32 v35, v0  }
0x12a: {  	v5 =	vor.u32 $0x1E, v2;
	_ =	sdelay $0x3  }
0x12b: {  	[tilespmem:v4+s21+$0x0] =	vst.idx.msk $0xffff, v3  }
0x12c: {  	v3 =	vld.idx.msk [tilespmem:v5+s14+$0x0], $0xffff  }
0x12d: {  	v4 =	vor.u32 v36, v0  }
0x12e: {  	v2 =	vor.u32 $0x1F, v2;
	_ =	sdelay $0x3  }
0x12f: {  	[tilespmem:v4+s21+$0x0] =	vst.idx.msk $0xffff, v3  }
0x130: {  	v2 =	vld.idx.msk [tilespmem:v2+s14+$0x0], $0xffff  }
.Ltmp0:
0x131: {  	v0 =	vor.u32 v37, v0;
	(pc) =	sbr.rel @p0 .LBB2_2-.Ltmp0, $3  }
0x132: {  	_ =	sdelay $0x1  }
0x133: {  	s23 =	sadd.s32 $0x10, s23;
	s26 =	sand.u32 $0x600, s25  }
0x134: {  	s25 =	sand.u32 $0x70, s23;
	s26 =	sshrl.u32 s26, $0x2  }
0x135: {  	_ =	sdelay $0x3  }
0x136: {  	s24 =	sor.u32 s25, s26;
	[tilespmem:v0+s21+$0x0] =	vst.idx.msk $0xffff, v2  }
0x137: {  	v0 =	vld [tilespmem:s24+$0x200];
	_ =	sdelay $0x3  }
0x138: {  	v2 =	vlaneseq.u32  }
0x139: {  	v2 =	vor.u32 s23, v2;
	v0 =	vshll.u32 v0, $0x5  }
0x13a: {  	v4 =	vshll.u32 v2, $0x7;
	v3 =	vand.u32 $0xFFFFFF80, v0  }
0x13b: {  	v0 =	vand.u32 $0x60, v0;
	v3 =	vadd.s32 v4, v3  }
0x13c: {  	v0 =	vor.u32 v0, v3;
	_ =	sdelay $0x2  }
0x13d: {  	v2 =	vshll.u32 v2, $0x6  }
0x13e: {  	v2 =	vand.u32 $0x7F80, v2  }
0x13f: {  	v4 =	vor.u32 v1, v2;
	v3 =	vld.idx.msk [tilespmem:v0+s14+$0x0], $0xffff  }
0x140: {  	v5 =	vor.u32 $0x1, v0;
	_ =	sdelay $0x3  }
0x141: {  	[tilespmem:v4+s21+$0x0] =	vst.idx.msk $0xffff, v3  }
0x142: {  	v4 =	vor.u32 v7, v2;
	v3 =	vld.idx.msk [tilespmem:v5+s14+$0x0], $0xffff  }
0x143: {  	v5 =	vor.u32 $0x2, v0;
	_ =	sdelay $0x3  }
0x144: {  	[tilespmem:v4+s21+$0x0] =	vst.idx.msk $0xffff, v3  }
0x145: {  	v4 =	vor.u32 v8, v2;
	v3 =	vld.idx.msk [tilespmem:v5+s14+$0x0], $0xffff  }
0x146: {  	v5 =	vor.u32 $0x3, v0;
	_ =	sdelay $0x3  }
0x147: {  	[tilespmem:v4+s21+$0x0] =	vst.idx.msk $0xffff, v3  }
0x148: {  	v4 =	vor.u32 v9, v2;
	v3 =	vld.idx.msk [tilespmem:v5+s14+$0x0], $0xffff  }
0x149: {  	v5 =	vor.u32 $0x4, v0;
	_ =	sdelay $0x3  }
0x14a: {  	[tilespmem:v4+s21+$0x0] =	vst.idx.msk $0xffff, v3  }
0x14b: {  	v4 =	vor.u32 v10, v2;
	v3 =	vld.idx.msk [tilespmem:v5+s14+$0x0], $0xffff  }
0x14c: {  	v5 =	vor.u32 $0x5, v0;
	_ =	sdelay $0x3  }
0x14d: {  	[tilespmem:v4+s21+$0x0] =	vst.idx.msk $0xffff, v3  }
0x14e: {  	v4 =	vor.u32 v11, v2;
	v3 =	vld.idx.msk [tilespmem:v5+s14+$0x0], $0xffff  }
0x14f: {  	v5 =	vor.u32 $0x6, v0;
	_ =	sdelay $0x3  }
0x150: {  	[tilespmem:v4+s21+$0x0] =	vst.idx.msk $0xffff, v3  }
0x151: {  	v4 =	vor.u32 v12, v2;
	v3 =	vld.idx.msk [tilespmem:v5+s14+$0x0], $0xffff  }
0x152: {  	v5 =	vor.u32 $0x7, v0;
	_ =	sdelay $0x3  }
0x153: {  	[tilespmem:v4+s21+$0x0] =	vst.idx.msk $0xffff, v3  }
0x154: {  	v4 =	vor.u32 v13, v2;
	v3 =	vld.idx.msk [tilespmem:v5+s14+$0x0], $0xffff  }
0x155: {  	v5 =	vor.u32 $0x8, v0;
	_ =	sdelay $0x3  }
0x156: {  	[tilespmem:v4+s21+$0x0] =	vst.idx.msk $0xffff, v3  }
0x157: {  	v4 =	vor.u32 v14, v2;
	v3 =	vld.idx.msk [tilespmem:v5+s14+$0x0], $0xffff  }
0x158: {  	v5 =	vor.u32 $0x9, v0;
	_ =	sdelay $0x3  }
0x159: {  	[tilespmem:v4+s21+$0x0] =	vst.idx.msk $0xffff, v3  }
0x15a: {  	v4 =	vor.u32 v15, v2;
	v3 =	vld.idx.msk [tilespmem:v5+s14+$0x0], $0xffff  }
0x15b: {  	v5 =	vor.u32 $0xA, v0;
	_ =	sdelay $0x3  }
0x15c: {  	[tilespmem:v4+s21+$0x0] =	vst.idx.msk $0xffff, v3  }
0x15d: {  	v4 =	vor.u32 v16, v2;
	v3 =	vld.idx.msk [tilespmem:v5+s14+$0x0], $0xffff  }
0x15e: {  	v5 =	vor.u32 $0xB, v0;
	_ =	sdelay $0x3  }
0x15f: {  	[tilespmem:v4+s21+$0x0] =	vst.idx.msk $0xffff, v3  }
0x160: {  	v4 =	vor.u32 v17, v2;
	v3 =	vld.idx.msk [tilespmem:v5+s14+$0x0], $0xffff  }
0x161: {  	v5 =	vor.u32 $0xC, v0;
	_ =	sdelay $0x3  }
0x162: {  	[tilespmem:v4+s21+$0x0] =	vst.idx.msk $0xffff, v3  }
0x163: {  	v4 =	vor.u32 v18, v2;
	v3 =	vld.idx.msk [tilespmem:v5+s14+$0x0], $0xffff  }
0x164: {  	v5 =	vor.u32 $0xD, v0;
	_ =	sdelay $0x3  }
0x165: {  	[tilespmem:v4+s21+$0x0] =	vst.idx.msk $0xffff, v3  }
0x166: {  	v4 =	vor.u32 v19, v2;
	v3 =	vld.idx.msk [tilespmem:v5+s14+$0x0], $0xffff  }
0x167: {  	v5 =	vor.u32 $0xE, v0;
	_ =	sdelay $0x3  }
0x168: {  	[tilespmem:v4+s21+$0x0] =	vst.idx.msk $0xffff, v3  }
0x169: {  	v4 =	vor.u32 v20, v2;
	v3 =	vld.idx.msk [tilespmem:v5+s14+$0x0], $0xffff  }
0x16a: {  	v5 =	vor.u32 $0xF, v0;
	_ =	sdelay $0x3  }
0x16b: {  	[tilespmem:v4+s21+$0x0] =	vst.idx.msk $0xffff, v3  }
0x16c: {  	v4 =	vor.u32 v21, v2;
	v3 =	vld.idx.msk [tilespmem:v5+s14+$0x0], $0xffff  }
0x16d: {  	v5 =	vor.u32 $0x10, v0;
	_ =	sdelay $0x3  }
0x16e: {  	[tilespmem:v4+s21+$0x0] =	vst.idx.msk $0xffff, v3  }
0x16f: {  	v4 =	vor.u32 v22, v2;
	v3 =	vld.idx.msk [tilespmem:v5+s14+$0x0], $0xffff  }
0x170: {  	v5 =	vor.u32 $0x11, v0;
	_ =	sdelay $0x3  }
0x171: {  	[tilespmem:v4+s21+$0x0] =	vst.idx.msk $0xffff, v3  }
0x172: {  	v4 =	vor.u32 v23, v2;
	v3 =	vld.idx.msk [tilespmem:v5+s14+$0x0], $0xffff  }
0x173: {  	v5 =	vor.u32 $0x12, v0;
	_ =	sdelay $0x3  }
0x174: {  	[tilespmem:v4+s21+$0x0] =	vst.idx.msk $0xffff, v3  }
0x175: {  	v4 =	vor.u32 v24, v2;
	v3 =	vld.idx.msk [tilespmem:v5+s14+$0x0], $0xffff  }
0x176: {  	v5 =	vor.u32 $0x13, v0;
	_ =	sdelay $0x3  }
0x177: {  	[tilespmem:v4+s21+$0x0] =	vst.idx.msk $0xffff, v3  }
0x178: {  	v4 =	vor.u32 v25, v2;
	v3 =	vld.idx.msk [tilespmem:v5+s14+$0x0], $0xffff  }
0x179: {  	v5 =	vor.u32 $0x14, v0;
	_ =	sdelay $0x3  }
0x17a: {  	[tilespmem:v4+s21+$0x0] =	vst.idx.msk $0xffff, v3  }
0x17b: {  	v4 =	vor.u32 v26, v2;
	v3 =	vld.idx.msk [tilespmem:v5+s14+$0x0], $0xffff  }
0x17c: {  	v5 =	vor.u32 $0x15, v0;
	_ =	sdelay $0x3  }
0x17d: {  	[tilespmem:v4+s21+$0x0] =	vst.idx.msk $0xffff, v3  }
0x17e: {  	v4 =	vor.u32 v27, v2;
	v3 =	vld.idx.msk [tilespmem:v5+s14+$0x0], $0xffff  }
0x17f: {  	v5 =	vor.u32 $0x16, v0;
	_ =	sdelay $0x3  }
0x180: {  	[tilespmem:v4+s21+$0x0] =	vst.idx.msk $0xffff, v3  }
0x181: {  	v4 =	vor.u32 v28, v2;
	v3 =	vld.idx.msk [tilespmem:v5+s14+$0x0], $0xffff  }
0x182: {  	v5 =	vor.u32 $0x17, v0;
	_ =	sdelay $0x3  }
0x183: {  	[tilespmem:v4+s21+$0x0] =	vst.idx.msk $0xffff, v3  }
0x184: {  	v4 =	vor.u32 v29, v2;
	v3 =	vld.idx.msk [tilespmem:v5+s14+$0x0], $0xffff  }
0x185: {  	v5 =	vor.u32 $0x18, v0;
	_ =	sdelay $0x3  }
0x186: {  	[tilespmem:v4+s21+$0x0] =	vst.idx.msk $0xffff, v3  }
0x187: {  	v4 =	vor.u32 v30, v2;
	v3 =	vld.idx.msk [tilespmem:v5+s14+$0x0], $0xffff  }
0x188: {  	v5 =	vor.u32 $0x19, v0;
	_ =	sdelay $0x3  }
0x189: {  	[tilespmem:v4+s21+$0x0] =	vst.idx.msk $0xffff, v3  }
0x18a: {  	v4 =	vor.u32 v31, v2;
	v3 =	vld.idx.msk [tilespmem:v5+s14+$0x0], $0xffff  }
0x18b: {  	v5 =	vor.u32 $0x1A, v0;
	_ =	sdelay $0x3  }
0x18c: {  	[tilespmem:v4+s21+$0x0] =	vst.idx.msk $0xffff, v3  }
0x18d: {  	v4 =	vor.u32 v32, v2;
	v3 =	vld.idx.msk [tilespmem:v5+s14+$0x0], $0xffff  }
0x18e: {  	v5 =	vor.u32 $0x1B, v0;
	_ =	sdelay $0x3  }
0x18f: {  	[tilespmem:v4+s21+$0x0] =	vst.idx.msk $0xffff, v3  }
0x190: {  	v4 =	vor.u32 v33, v2;
	v3 =	vld.idx.msk [tilespmem:v5+s14+$0x0], $0xffff  }
0x191: {  	v5 =	vor.u32 $0x1C, v0;
	_ =	sdelay $0x3  }
0x192: {  	[tilespmem:v4+s21+$0x0] =	vst.idx.msk $0xffff, v3  }
0x193: {  	v4 =	vor.u32 v34, v2;
	v3 =	vld.idx.msk [tilespmem:v5+s14+$0x0], $0xffff  }
0x194: {  	v5 =	vor.u32 $0x1D, v0;
	_ =	sdelay $0x3  }
0x195: {  	[tilespmem:v4+s21+$0x0] =	vst.idx.msk $0xffff, v3  }
0x196: {  	v4 =	vor.u32 v35, v2;
	v3 =	vld.idx.msk [tilespmem:v5+s14+$0x0], $0xffff  }
0x197: {  	v5 =	vor.u32 $0x1E, v0;
	_ =	sdelay $0x3  }
0x198: {  	[tilespmem:v4+s21+$0x0] =	vst.idx.msk $0xffff, v3  }
0x199: {  	v4 =	vor.u32 v36, v2;
	v3 =	vld.idx.msk [tilespmem:v5+s14+$0x0], $0xffff  }
0x19a: {  	v0 =	vor.u32 $0x1F, v0;
	_ =	sdelay $0x3  }
0x19b: {  	[tilespmem:v4+s21+$0x0] =	vst.idx.msk $0xffff, v3  }
0x19c: {  	v2 =	vor.u32 v37, v2;
	v0 =	vld.idx.msk [tilespmem:v0+s14+$0x0], $0xffff;
	_ =	sdelay $0x4  }
0x19d: {  	s26 =	simm.s32 $0x0;
	[tilespmem:v2+s21+$0x0] =	vst.idx.msk $0xffff, v0  }
0x19e: {  	[tilespmem:s26], [sflag:$0x2] =	stream.linear.gather [hbm4b:s7+s26], $0x200, $0x38;
	[tilespmem:$0x18400] =	vst v63  }
0x19f: {  	_ =	swait.ge [sflag:s11], $0x200  }
0x1a0: {  	[sflag:s11] =	ssyncset.done $0x0  }
0x1a1: {  	[sflag:s11] =	ssyncadd.s32 $0xFFFFFE00  }
0x1a2: {  	[tilespmem:s12], [sflag:$0x2] =	stream.linear.gather [hbm4b:s8+s26], $0x200, $0x38;
	[tilespmem:$0x18400] =	vst v63  }
0x1a3: {  	_ =	swait.ge [sflag:s11], $0x200  }
0x1a4: {  	[sflag:s11] =	ssyncset.done $0x0  }
0x1a5: {  	[sflag:s11] =	ssyncadd.s32 $0xFFFFFE00  }
0x1a6: {  	[tilespmem:s14], [sflag:$0x1] =	stream.indirect.gather [hbm4b:s4+s13], $0x80, s26, s13, $0xb8;
	[tilespmem:$0x18400] =	vst v63  }
0x1a7: {  	_ = 	snop  }
0x1a8: {  	[tilespmem:s15], [sflag:$0x1] =	stream.indirect.gather [hbm4b:s4+s13], $0x80, s13, s13, $0xb8;
	[tilespmem:$0x18400] =	vst v63  }
0x1a9: {  	_ = 	snop  }
0x1aa: {  	[tilespmem:s17], [sflag:$0x1] =	stream.indirect.gather [hbm4b:s4+s13], $0x80, s16, s13, $0xb8;
	[tilespmem:$0x18400] =	vst v63  }
0x1ab: {  	_ = 	snop  }
0x1ac: {  	[tilespmem:s19], [sflag:$0x1] =	stream.indirect.gather [hbm4b:s4+s13], $0x80, s18, s13, $0xb8;
	[tilespmem:$0x18400] =	vst v63  }
0x1ad: {  	_ =	swait.ge [sflag:s20], $0x4000  }
0x1ae: {  	[sflag:s20] =	ssyncset.done $0x0  }
0x1af: {  	[sflag:s20] =	ssyncadd.s32 $0xFFFFC000  }
0x1b0: {  	_ =	swait.ge [sflag:s20], $0x4000  }
0x1b1: {  	[sflag:s20] =	ssyncset.done $0x0  }
0x1b2: {  	[sflag:s20] =	ssyncadd.s32 $0xFFFFC000  }
0x1b3: {  	_ =	swait.ge [sflag:s20], $0x4000  }
0x1b4: {  	[sflag:s20] =	ssyncset.done $0x0  }
0x1b5: {  	[sflag:s20] =	ssyncadd.s32 $0xFFFFC000  }
0x1b6: {  	s28 =	sand.u32 $0x600, s26;
	_ =	swait.ge [sflag:s20], $0x4000  }
0x1b7: {  	s29 =	sand.u32 $0x70, s26;
	s24 =	sshrl.u32 s28, $0x2;
	[sflag:s20] =	ssyncset.done $0x0  }
0x1b8: {  	s24 =	sor.u32 s29, s24;
	[sflag:s20] =	ssyncadd.s32 $0xFFFFC000  }
0x1b9: {  	v0 =	vld [tilespmem:s24+$0x200];
	_ =	sdelay $0x3  }
0x1ba: {  	v2 =	vlaneseq.u32  }
0x1bb: {  	v2 =	vor.u32 s26, v2;
	v0 =	vshll.u32 v0, $0x5  }
0x1bc: {  	v4 =	vshll.u32 v2, $0x7;
	v3 =	vand.u32 $0xFFFFFF80, v0  }
0x1bd: {  	v0 =	vand.u32 $0x60, v0;
	v3 =	vadd.s32 v4, v3  }
0x1be: {  	v7 =	vld [tilespmem:$0x1FDB0];
	v0 =	vor.u32 v0, v3;
	_ =	sdelay $0x2  }
0x1bf: {  	v2 =	vshll.u32 v2, $0x6  }
0x1c0: {  	v2 =	vand.u32 $0x7F80, v2  }
0x1c1: {  	v4 =	vor.u32 v7, v2;
	v3 =	vld.idx.msk [tilespmem:v0+s14+$0x0], $0xffff  }
0x1c2: {  	v8 =	vld [tilespmem:$0x1FDC0];
	v5 =	vor.u32 $0x1, v0;
	_ =	sdelay $0x3  }
0x1c3: {  	[tilespmem:v4+s21+$0x0] =	vst.idx.msk $0xffff, v3  }
0x1c4: {  	v4 =	vor.u32 v8, v2;
	v3 =	vld.idx.msk [tilespmem:v5+s14+$0x0], $0xffff  }
0x1c5: {  	v9 =	vld [tilespmem:$0x1FDD0];
	v5 =	vor.u32 $0x2, v0;
	_ =	sdelay $0x3  }
0x1c6: {  	[tilespmem:v4+s21+$0x0] =	vst.idx.msk $0xffff, v3  }
0x1c7: {  	v4 =	vor.u32 v9, v2;
	v3 =	vld.idx.msk [tilespmem:v5+s14+$0x0], $0xffff  }
0x1c8: {  	v10 =	vld [tilespmem:$0x1FDE0];
	v5 =	vor.u32 $0x3, v0;
	_ =	sdelay $0x3  }
0x1c9: {  	[tilespmem:v4+s21+$0x0] =	vst.idx.msk $0xffff, v3  }
0x1ca: {  	v4 =	vor.u32 v10, v2;
	v3 =	vld.idx.msk [tilespmem:v5+s14+$0x0], $0xffff  }
0x1cb: {  	v11 =	vld [tilespmem:$0x1FDF0];
	v5 =	vor.u32 $0x4, v0;
	_ =	sdelay $0x3  }
0x1cc: {  	[tilespmem:v4+s21+$0x0] =	vst.idx.msk $0xffff, v3  }
0x1cd: {  	v4 =	vor.u32 v11, v2;
	v3 =	vld.idx.msk [tilespmem:v5+s14+$0x0], $0xffff  }
0x1ce: {  	v5 =	vor.u32 $0x5, v0;
	_ =	sdelay $0x3  }
0x1cf: {  	[tilespmem:v4+s21+$0x0] =	vst.idx.msk $0xffff, v3  }
0x1d0: {  	v4 =	vor.u32 v38, v2;
	v3 =	vld.idx.msk [tilespmem:v5+s14+$0x0], $0xffff  }
0x1d1: {  	v5 =	vor.u32 $0x6, v0;
	_ =	sdelay $0x3  }
0x1d2: {  	[tilespmem:v4+s21+$0x0] =	vst.idx.msk $0xffff, v3  }
0x1d3: {  	v4 =	vor.u32 v39, v2;
	v3 =	vld.idx.msk [tilespmem:v5+s14+$0x0], $0xffff  }
0x1d4: {  	v5 =	vor.u32 $0x7, v0;
	_ =	sdelay $0x3  }
0x1d5: {  	[tilespmem:v4+s21+$0x0] =	vst.idx.msk $0xffff, v3  }
0x1d6: {  	v4 =	vor.u32 v40, v2;
	v3 =	vld.idx.msk [tilespmem:v5+s14+$0x0], $0xffff  }
0x1d7: {  	v5 =	vor.u32 $0x8, v0;
	_ =	sdelay $0x3  }
0x1d8: {  	[tilespmem:v4+s21+$0x0] =	vst.idx.msk $0xffff, v3  }
0x1d9: {  	v4 =	vor.u32 v41, v2;
	v3 =	vld.idx.msk [tilespmem:v5+s14+$0x0], $0xffff  }
0x1da: {  	v5 =	vor.u32 $0x9, v0;
	_ =	sdelay $0x3  }
0x1db: {  	[tilespmem:v4+s21+$0x0] =	vst.idx.msk $0xffff, v3  }
0x1dc: {  	v4 =	vor.u32 v42, v2;
	v3 =	vld.idx.msk [tilespmem:v5+s14+$0x0], $0xffff  }
0x1dd: {  	v5 =	vor.u32 $0xA, v0;
	_ =	sdelay $0x3  }
0x1de: {  	[tilespmem:v4+s21+$0x0] =	vst.idx.msk $0xffff, v3  }
0x1df: {  	v4 =	vor.u32 v43, v2;
	v3 =	vld.idx.msk [tilespmem:v5+s14+$0x0], $0xffff  }
0x1e0: {  	v5 =	vor.u32 $0xB, v0;
	_ =	sdelay $0x3  }
0x1e1: {  	[tilespmem:v4+s21+$0x0] =	vst.idx.msk $0xffff, v3  }
0x1e2: {  	v4 =	vor.u32 v44, v2;
	v3 =	vld.idx.msk [tilespmem:v5+s14+$0x0], $0xffff  }
0x1e3: {  	v5 =	vor.u32 $0xC, v0;
	_ =	sdelay $0x3  }
0x1e4: {  	[tilespmem:v4+s21+$0x0] =	vst.idx.msk $0xffff, v3  }
0x1e5: {  	v4 =	vor.u32 v45, v2;
	v3 =	vld.idx.msk [tilespmem:v5+s14+$0x0], $0xffff  }
0x1e6: {  	v5 =	vor.u32 $0xD, v0;
	_ =	sdelay $0x3  }
0x1e7: {  	[tilespmem:v4+s21+$0x0] =	vst.idx.msk $0xffff, v3  }
0x1e8: {  	v4 =	vor.u32 v46, v2;
	v3 =	vld.idx.msk [tilespmem:v5+s14+$0x0], $0xffff  }
0x1e9: {  	v5 =	vor.u32 $0xE, v0;
	_ =	sdelay $0x3  }
0x1ea: {  	[tilespmem:v4+s21+$0x0] =	vst.idx.msk $0xffff, v3  }
0x1eb: {  	v4 =	vor.u32 v47, v2;
	v3 =	vld.idx.msk [tilespmem:v5+s14+$0x0], $0xffff  }
0x1ec: {  	v5 =	vor.u32 $0xF, v0;
	_ =	sdelay $0x3  }
0x1ed: {  	[tilespmem:v4+s21+$0x0] =	vst.idx.msk $0xffff, v3  }
0x1ee: {  	v4 =	vor.u32 v48, v2;
	v3 =	vld.idx.msk [tilespmem:v5+s14+$0x0], $0xffff  }
0x1ef: {  	v5 =	vor.u32 $0x10, v0;
	_ =	sdelay $0x3  }
0x1f0: {  	[tilespmem:v4+s21+$0x0] =	vst.idx.msk $0xffff, v3  }
0x1f1: {  	v4 =	vor.u32 v49, v2;
	v3 =	vld.idx.msk [tilespmem:v5+s14+$0x0], $0xffff  }
0x1f2: {  	v5 =	vor.u32 $0x11, v0;
	_ =	sdelay $0x3  }
0x1f3: {  	[tilespmem:v4+s21+$0x0] =	vst.idx.msk $0xffff, v3  }
0x1f4: {  	v4 =	vor.u32 v50, v2;
	v3 =	vld.idx.msk [tilespmem:v5+s14+$0x0], $0xffff  }
0x1f5: {  	v5 =	vor.u32 $0x12, v0;
	_ =	sdelay $0x3  }
0x1f6: {  	[tilespmem:v4+s21+$0x0] =	vst.idx.msk $0xffff, v3  }
0x1f7: {  	v4 =	vor.u32 v51, v2;
	v3 =	vld.idx.msk [tilespmem:v5+s14+$0x0], $0xffff  }
0x1f8: {  	v5 =	vor.u32 $0x13, v0;
	_ =	sdelay $0x3  }
0x1f9: {  	[tilespmem:v4+s21+$0x0] =	vst.idx.msk $0xffff, v3  }
0x1fa: {  	v4 =	vor.u32 v52, v2;
	v3 =	vld.idx.msk [tilespmem:v5+s14+$0x0], $0xffff  }
0x1fb: {  	v5 =	vor.u32 $0x14, v0;
	_ =	sdelay $0x3  }
0x1fc: {  	[tilespmem:v4+s21+$0x0] =	vst.idx.msk $0xffff, v3  }
0x1fd: {  	v4 =	vor.u32 v53, v2;
	v3 =	vld.idx.msk [tilespmem:v5+s14+$0x0], $0xffff  }
0x1fe: {  	v5 =	vor.u32 $0x15, v0;
	_ =	sdelay $0x3  }
0x1ff: {  	[tilespmem:v4+s21+$0x0] =	vst.idx.msk $0xffff, v3  }
0x200: {  	v4 =	vor.u32 v54, v2;
	v3 =	vld.idx.msk [tilespmem:v5+s14+$0x0], $0xffff  }
0x201: {  	v5 =	vor.u32 $0x16, v0;
	_ =	sdelay $0x3  }
0x202: {  	[tilespmem:v4+s21+$0x0] =	vst.idx.msk $0xffff, v3  }
0x203: {  	v4 =	vor.u32 v55, v2;
	v3 =	vld.idx.msk [tilespmem:v5+s14+$0x0], $0xffff  }
0x204: {  	v5 =	vor.u32 $0x17, v0;
	_ =	sdelay $0x3  }
0x205: {  	[tilespmem:v4+s21+$0x0] =	vst.idx.msk $0xffff, v3  }
0x206: {  	v4 =	vor.u32 v56, v2;
	v3 =	vld.idx.msk [tilespmem:v5+s14+$0x0], $0xffff  }
0x207: {  	v5 =	vor.u32 $0x18, v0;
	_ =	sdelay $0x3  }
0x208: {  	[tilespmem:v4+s21+$0x0] =	vst.idx.msk $0xffff, v3  }
0x209: {  	v4 =	vor.u32 v57, v2;
	v3 =	vld.idx.msk [tilespmem:v5+s14+$0x0], $0xffff  }
0x20a: {  	v5 =	vor.u32 $0x19, v0;
	_ =	sdelay $0x3  }
0x20b: {  	[tilespmem:v4+s21+$0x0] =	vst.idx.msk $0xffff, v3  }
0x20c: {  	v4 =	vor.u32 v58, v2;
	v3 =	vld.idx.msk [tilespmem:v5+s14+$0x0], $0xffff  }
0x20d: {  	v5 =	vor.u32 $0x1A, v0;
	_ =	sdelay $0x3  }
0x20e: {  	[tilespmem:v4+s21+$0x0] =	vst.idx.msk $0xffff, v3  }
0x20f: {  	v4 =	vor.u32 v59, v2;
	v3 =	vld.idx.msk [tilespmem:v5+s14+$0x0], $0xffff  }
0x210: {  	v5 =	vor.u32 $0x1B, v0;
	_ =	sdelay $0x3  }
0x211: {  	[tilespmem:v4+s21+$0x0] =	vst.idx.msk $0xffff, v3  }
0x212: {  	v4 =	vor.u32 v60, v2;
	v3 =	vld.idx.msk [tilespmem:v5+s14+$0x0], $0xffff  }
0x213: {  	v5 =	vor.u32 $0x1C, v0;
	_ =	sdelay $0x3  }
0x214: {  	[tilespmem:v4+s21+$0x0] =	vst.idx.msk $0xffff, v3  }
0x215: {  	v4 =	vor.u32 v61, v2;
	v3 =	vld.idx.msk [tilespmem:v5+s14+$0x0], $0xffff  }
0x216: {  	v5 =	vor.u32 $0x1D, v0;
	_ =	sdelay $0x3  }
0x217: {  	[tilespmem:v4+s21+$0x0] =	vst.idx.msk $0xffff, v3  }
0x218: {  	v4 =	vor.u32 v62, v2;
	v3 =	vld.idx.msk [tilespmem:v5+s14+$0x0], $0xffff  }
0x219: {  	v5 =	vor.u32 $0x1E, v0;
	_ =	sdelay $0x3  }
0x21a: {  	[tilespmem:v4+s21+$0x0] =	vst.idx.msk $0xffff, v3  }
0x21b: {  	v4 =	vor.u32 v63, v2;
	v3 =	vld.idx.msk [tilespmem:v5+s14+$0x0], $0xffff  }
0x21c: {  	v5 =	vor.u32 $0x1F, v0;
	_ =	sdelay $0x3  }
0x21d: {  	v0 =	vor.u32 $0x3F, v1;
	[tilespmem:v4+s21+$0x0] =	vst.idx.msk $0xffff, v3  }
0x21e: {  	v2 =	vor.u32 v0, v2;
	v3 =	vld.idx.msk [tilespmem:v5+s14+$0x0], $0xffff  }
0x21f: {  	s30 =	simm.s32 $0x40  }
0x220: {  	s31 =	sand.u32 $0x600, s30;
	s23 =	simm.s32 $0x10  }
0x221: {  	v6 =	vlaneseq.u32;
	s25 =	sand.u32 $0x70, s23;
	s26 =	sshrl.u32 s31, $0x2;
	s24 =	simm.s32 $0x80  }
.LBB2_4:
0x222: {  	p0 =	sne.s32 s24, $0x7C0  }
0x223: {  	s26 =	sor.u32 s25, s26;
	[tilespmem:v2+s21+$0x0] =	vst.idx.msk $0xffff, v3;
	s25 =	smov.u32 s24;
	s24 =	sadd.s32 $0x40, s24  }
0x224: {  	v2 =	vld [tilespmem:s26+$0x200];
	_ =	sdelay $0x4  }
0x225: {  	v3 =	vor.u32 s23, v6;
	v2 =	vshll.u32 v2, $0x5  }
0x226: {  	v5 =	vshll.u32 v3, $0x7;
	v3 =	vshll.u32 v3, $0x6;
	v4 =	vand.u32 $0xFFFFFF80, v2  }
0x227: {  	v1 =	vand.u32 $0x60, v2;
	v2 =	vand.u32 $0x7F80, v3;
	v4 =	vadd.s32 v5, v4  }
0x228: {  	v3 =	vor.u32 v1, v4;
	_ =	sdelay $0x4  }
0x229: {  	v1 =	vld.idx.msk [tilespmem:v3+s14+$0x0], $0xffff  }
0x22a: {  	v4 =	vor.u32 v7, v2  }
0x22b: {  	v5 =	vor.u32 $0x1, v3;
	_ =	sdelay $0x3  }
0x22c: {  	[tilespmem:v4+s21+$0x0] =	vst.idx.msk $0xffff, v1  }
0x22d: {  	v1 =	vld.idx.msk [tilespmem:v5+s14+$0x0], $0xffff  }
0x22e: {  	v4 =	vor.u32 v8, v2  }
0x22f: {  	v5 =	vor.u32 $0x2, v3;
	_ =	sdelay $0x3  }
0x230: {  	[tilespmem:v4+s21+$0x0] =	vst.idx.msk $0xffff, v1  }
0x231: {  	v1 =	vld.idx.msk [tilespmem:v5+s14+$0x0], $0xffff  }
0x232: {  	v4 =	vor.u32 v9, v2  }
0x233: {  	v5 =	vor.u32 $0x3, v3;
	_ =	sdelay $0x3  }
0x234: {  	[tilespmem:v4+s21+$0x0] =	vst.idx.msk $0xffff, v1  }
0x235: {  	v1 =	vld.idx.msk [tilespmem:v5+s14+$0x0], $0xffff  }
0x236: {  	v4 =	vor.u32 v10, v2  }
0x237: {  	v5 =	vor.u32 $0x4, v3;
	_ =	sdelay $0x3  }
0x238: {  	[tilespmem:v4+s21+$0x0] =	vst.idx.msk $0xffff, v1  }
0x239: {  	v1 =	vld.idx.msk [tilespmem:v5+s14+$0x0], $0xffff  }
0x23a: {  	v4 =	vor.u32 v11, v2  }
0x23b: {  	v5 =	vor.u32 $0x5, v3;
	_ =	sdelay $0x3  }
0x23c: {  	[tilespmem:v4+s21+$0x0] =	vst.idx.msk $0xffff, v1  }
0x23d: {  	v1 =	vld.idx.msk [tilespmem:v5+s14+$0x0], $0xffff  }
0x23e: {  	v4 =	vor.u32 v38, v2  }
0x23f: {  	v5 =	vor.u32 $0x6, v3;
	_ =	sdelay $0x3  }
0x240: {  	[tilespmem:v4+s21+$0x0] =	vst.idx.msk $0xffff, v1  }
0x241: {  	v1 =	vld.idx.msk [tilespmem:v5+s14+$0x0], $0xffff  }
0x242: {  	v4 =	vor.u32 v39, v2  }
0x243: {  	v5 =	vor.u32 $0x7, v3;
	_ =	sdelay $0x3  }
0x244: {  	[tilespmem:v4+s21+$0x0] =	vst.idx.msk $0xffff, v1  }
0x245: {  	v1 =	vld.idx.msk [tilespmem:v5+s14+$0x0], $0xffff  }
0x246: {  	v4 =	vor.u32 v40, v2  }
0x247: {  	v5 =	vor.u32 $0x8, v3;
	_ =	sdelay $0x3  }
0x248: {  	[tilespmem:v4+s21+$0x0] =	vst.idx.msk $0xffff, v1  }
0x249: {  	v1 =	vld.idx.msk [tilespmem:v5+s14+$0x0], $0xffff  }
0x24a: {  	v4 =	vor.u32 v41, v2  }
0x24b: {  	v5 =	vor.u32 $0x9, v3;
	_ =	sdelay $0x3  }
0x24c: {  	[tilespmem:v4+s21+$0x0] =	vst.idx.msk $0xffff, v1  }
0x24d: {  	v1 =	vld.idx.msk [tilespmem:v5+s14+$0x0], $0xffff  }
0x24e: {  	v4 =	vor.u32 v42, v2  }
0x24f: {  	v5 =	vor.u32 $0xA, v3;
	_ =	sdelay $0x3  }
0x250: {  	[tilespmem:v4+s21+$0x0] =	vst.idx.msk $0xffff, v1  }
0x251: {  	v1 =	vld.idx.msk [tilespmem:v5+s14+$0x0], $0xffff  }
0x252: {  	v4 =	vor.u32 v43, v2  }
0x253: {  	v5 =	vor.u32 $0xB, v3;
	_ =	sdelay $0x3  }
0x254: {  	[tilespmem:v4+s21+$0x0] =	vst.idx.msk $0xffff, v1  }
0x255: {  	v1 =	vld.idx.msk [tilespmem:v5+s14+$0x0], $0xffff  }
0x256: {  	v4 =	vor.u32 v44, v2  }
0x257: {  	v5 =	vor.u32 $0xC, v3;
	_ =	sdelay $0x3  }
0x258: {  	[tilespmem:v4+s21+$0x0] =	vst.idx.msk $0xffff, v1  }
0x259: {  	v1 =	vld.idx.msk [tilespmem:v5+s14+$0x0], $0xffff  }
0x25a: {  	v4 =	vor.u32 v45, v2  }
0x25b: {  	v5 =	vor.u32 $0xD, v3;
	_ =	sdelay $0x3  }
0x25c: {  	[tilespmem:v4+s21+$0x0] =	vst.idx.msk $0xffff, v1  }
0x25d: {  	v1 =	vld.idx.msk [tilespmem:v5+s14+$0x0], $0xffff  }
0x25e: {  	v4 =	vor.u32 v46, v2  }
0x25f: {  	v5 =	vor.u32 $0xE, v3;
	_ =	sdelay $0x3  }
0x260: {  	[tilespmem:v4+s21+$0x0] =	vst.idx.msk $0xffff, v1  }
0x261: {  	v1 =	vld.idx.msk [tilespmem:v5+s14+$0x0], $0xffff  }
0x262: {  	v4 =	vor.u32 v47, v2  }
0x263: {  	v5 =	vor.u32 $0xF, v3;
	_ =	sdelay $0x3  }
0x264: {  	[tilespmem:v4+s21+$0x0] =	vst.idx.msk $0xffff, v1  }
0x265: {  	v1 =	vld.idx.msk [tilespmem:v5+s14+$0x0], $0xffff  }
0x266: {  	v4 =	vor.u32 v48, v2  }
0x267: {  	v5 =	vor.u32 $0x10, v3;
	_ =	sdelay $0x3  }
0x268: {  	[tilespmem:v4+s21+$0x0] =	vst.idx.msk $0xffff, v1  }
0x269: {  	v1 =	vld.idx.msk [tilespmem:v5+s14+$0x0], $0xffff  }
0x26a: {  	v4 =	vor.u32 v49, v2  }
0x26b: {  	v5 =	vor.u32 $0x11, v3;
	_ =	sdelay $0x3  }
0x26c: {  	[tilespmem:v4+s21+$0x0] =	vst.idx.msk $0xffff, v1  }
0x26d: {  	v1 =	vld.idx.msk [tilespmem:v5+s14+$0x0], $0xffff  }
0x26e: {  	v4 =	vor.u32 v50, v2  }
0x26f: {  	v5 =	vor.u32 $0x12, v3;
	_ =	sdelay $0x3  }
0x270: {  	[tilespmem:v4+s21+$0x0] =	vst.idx.msk $0xffff, v1  }
0x271: {  	v1 =	vld.idx.msk [tilespmem:v5+s14+$0x0], $0xffff  }
0x272: {  	v4 =	vor.u32 v51, v2  }
0x273: {  	v5 =	vor.u32 $0x13, v3;
	_ =	sdelay $0x3  }
0x274: {  	[tilespmem:v4+s21+$0x0] =	vst.idx.msk $0xffff, v1  }
0x275: {  	v1 =	vld.idx.msk [tilespmem:v5+s14+$0x0], $0xffff  }
0x276: {  	v4 =	vor.u32 v52, v2  }
0x277: {  	v5 =	vor.u32 $0x14, v3;
	_ =	sdelay $0x3  }
0x278: {  	[tilespmem:v4+s21+$0x0] =	vst.idx.msk $0xffff, v1  }
0x279: {  	v1 =	vld.idx.msk [tilespmem:v5+s14+$0x0], $0xffff  }
0x27a: {  	v4 =	vor.u32 v53, v2  }
0x27b: {  	v5 =	vor.u32 $0x15, v3;
	_ =	sdelay $0x3  }
0x27c: {  	[tilespmem:v4+s21+$0x0] =	vst.idx.msk $0xffff, v1  }
0x27d: {  	v1 =	vld.idx.msk [tilespmem:v5+s14+$0x0], $0xffff  }
0x27e: {  	v4 =	vor.u32 v54, v2  }
0x27f: {  	v5 =	vor.u32 $0x16, v3;
	_ =	sdelay $0x3  }
0x280: {  	[tilespmem:v4+s21+$0x0] =	vst.idx.msk $0xffff, v1  }
0x281: {  	v1 =	vld.idx.msk [tilespmem:v5+s14+$0x0], $0xffff  }
0x282: {  	v4 =	vor.u32 v55, v2  }
0x283: {  	v5 =	vor.u32 $0x17, v3;
	_ =	sdelay $0x3  }
0x284: {  	[tilespmem:v4+s21+$0x0] =	vst.idx.msk $0xffff, v1  }
0x285: {  	v1 =	vld.idx.msk [tilespmem:v5+s14+$0x0], $0xffff  }
0x286: {  	v4 =	vor.u32 v56, v2  }
0x287: {  	v5 =	vor.u32 $0x18, v3;
	_ =	sdelay $0x3  }
0x288: {  	[tilespmem:v4+s21+$0x0] =	vst.idx.msk $0xffff, v1  }
0x289: {  	v1 =	vld.idx.msk [tilespmem:v5+s14+$0x0], $0xffff  }
0x28a: {  	v4 =	vor.u32 v57, v2  }
0x28b: {  	v5 =	vor.u32 $0x19, v3;
	_ =	sdelay $0x3  }
0x28c: {  	[tilespmem:v4+s21+$0x0] =	vst.idx.msk $0xffff, v1  }
0x28d: {  	v1 =	vld.idx.msk [tilespmem:v5+s14+$0x0], $0xffff  }
0x28e: {  	v4 =	vor.u32 v58, v2  }
0x28f: {  	v5 =	vor.u32 $0x1A, v3;
	_ =	sdelay $0x3  }
0x290: {  	[tilespmem:v4+s21+$0x0] =	vst.idx.msk $0xffff, v1  }
0x291: {  	v1 =	vld.idx.msk [tilespmem:v5+s14+$0x0], $0xffff  }
0x292: {  	v4 =	vor.u32 v59, v2  }
0x293: {  	v5 =	vor.u32 $0x1B, v3;
	_ =	sdelay $0x3  }
0x294: {  	[tilespmem:v4+s21+$0x0] =	vst.idx.msk $0xffff, v1  }
0x295: {  	v1 =	vld.idx.msk [tilespmem:v5+s14+$0x0], $0xffff  }
0x296: {  	v4 =	vor.u32 v60, v2  }
0x297: {  	v5 =	vor.u32 $0x1C, v3;
	_ =	sdelay $0x3  }
0x298: {  	[tilespmem:v4+s21+$0x0] =	vst.idx.msk $0xffff, v1  }
0x299: {  	v1 =	vld.idx.msk [tilespmem:v5+s14+$0x0], $0xffff  }
0x29a: {  	v4 =	vor.u32 v61, v2  }
0x29b: {  	v5 =	vor.u32 $0x1D, v3;
	_ =	sdelay $0x3  }
0x29c: {  	[tilespmem:v4+s21+$0x0] =	vst.idx.msk $0xffff, v1  }
0x29d: {  	v1 =	vld.idx.msk [tilespmem:v5+s14+$0x0], $0xffff  }
0x29e: {  	v4 =	vor.u32 v62, v2  }
0x29f: {  	v5 =	vor.u32 $0x1E, v3;
	_ =	sdelay $0x3  }
0x2a0: {  	[tilespmem:v4+s21+$0x0] =	vst.idx.msk $0xffff, v1  }
0x2a1: {  	v1 =	vld.idx.msk [tilespmem:v5+s14+$0x0], $0xffff  }
0x2a2: {  	v4 =	vor.u32 v63, v2  }
0x2a3: {  	v3 =	vor.u32 $0x1F, v3;
	_ =	sdelay $0x3  }
0x2a4: {  	[tilespmem:v4+s21+$0x0] =	vst.idx.msk $0xffff, v1  }
0x2a5: {  	v3 =	vld.idx.msk [tilespmem:v3+s14+$0x0], $0xffff  }
.Ltmp1:
0x2a6: {  	v2 =	vor.u32 v0, v2;
	(pc) =	sbr.rel @p0 .LBB2_4-.Ltmp1, $3  }
0x2a7: {  	_ =	sdelay $0x1  }
0x2a8: {  	s23 =	sadd.s32 $0x10, s23;
	s26 =	sand.u32 $0x600, s25  }
0x2a9: {  	s25 =	sand.u32 $0x70, s23;
	s26 =	sshrl.u32 s26, $0x2  }
0x2aa: {  	_ =	sdelay $0x3  }
0x2ab: {  	s24 =	sor.u32 s25, s26;
	[tilespmem:v2+s21+$0x0] =	vst.idx.msk $0xffff, v3  }
0x2ac: {  	v1 =	vld [tilespmem:s24+$0x200];
	_ =	sdelay $0x4  }
0x2ad: {  	v2 =	vor.u32 s23, v6;
	v1 =	vshll.u32 v1, $0x5  }
0x2ae: {  	v4 =	vshll.u32 v2, $0x7;
	v3 =	vand.u32 $0xFFFFFF80, v1  }
0x2af: {  	v1 =	vand.u32 $0x60, v1;
	v3 =	vadd.s32 v4, v3  }
0x2b0: {  	v1 =	vor.u32 v1, v3;
	_ =	sdelay $0x2  }
0x2b1: {  	v2 =	vshll.u32 v2, $0x6  }
0x2b2: {  	v2 =	vand.u32 $0x7F80, v2  }
0x2b3: {  	v4 =	vor.u32 v7, v2;
	v3 =	vld.idx.msk [tilespmem:v1+s14+$0x0], $0xffff  }
0x2b4: {  	v5 =	vor.u32 $0x1, v1;
	_ =	sdelay $0x3  }
0x2b5: {  	[tilespmem:v4+s21+$0x0] =	vst.idx.msk $0xffff, v3  }
0x2b6: {  	v4 =	vor.u32 v8, v2;
	v3 =	vld.idx.msk [tilespmem:v5+s14+$0x0], $0xffff  }
0x2b7: {  	v5 =	vor.u32 $0x2, v1;
	_ =	sdelay $0x3  }
0x2b8: {  	[tilespmem:v4+s21+$0x0] =	vst.idx.msk $0xffff, v3  }
0x2b9: {  	v4 =	vor.u32 v9, v2;
	v3 =	vld.idx.msk [tilespmem:v5+s14+$0x0], $0xffff  }
0x2ba: {  	v5 =	vor.u32 $0x3, v1;
	_ =	sdelay $0x3  }
0x2bb: {  	[tilespmem:v4+s21+$0x0] =	vst.idx.msk $0xffff, v3  }
0x2bc: {  	v4 =	vor.u32 v10, v2;
	v3 =	vld.idx.msk [tilespmem:v5+s14+$0x0], $0xffff  }
0x2bd: {  	v5 =	vor.u32 $0x4, v1;
	_ =	sdelay $0x3  }
0x2be: {  	[tilespmem:v4+s21+$0x0] =	vst.idx.msk $0xffff, v3  }
0x2bf: {  	v4 =	vor.u32 v11, v2;
	v3 =	vld.idx.msk [tilespmem:v5+s14+$0x0], $0xffff  }
0x2c0: {  	v5 =	vor.u32 $0x5, v1;
	_ =	sdelay $0x3  }
0x2c1: {  	[tilespmem:v4+s21+$0x0] =	vst.idx.msk $0xffff, v3  }
0x2c2: {  	v4 =	vor.u32 v38, v2;
	v3 =	vld.idx.msk [tilespmem:v5+s14+$0x0], $0xffff  }
0x2c3: {  	v5 =	vor.u32 $0x6, v1;
	_ =	sdelay $0x3  }
0x2c4: {  	[tilespmem:v4+s21+$0x0] =	vst.idx.msk $0xffff, v3  }
0x2c5: {  	v4 =	vor.u32 v39, v2;
	v3 =	vld.idx.msk [tilespmem:v5+s14+$0x0], $0xffff  }
0x2c6: {  	v5 =	vor.u32 $0x7, v1;
	_ =	sdelay $0x3  }
0x2c7: {  	[tilespmem:v4+s21+$0x0] =	vst.idx.msk $0xffff, v3  }
0x2c8: {  	v4 =	vor.u32 v40, v2;
	v3 =	vld.idx.msk [tilespmem:v5+s14+$0x0], $0xffff  }
0x2c9: {  	v5 =	vor.u32 $0x8, v1;
	_ =	sdelay $0x3  }
0x2ca: {  	[tilespmem:v4+s21+$0x0] =	vst.idx.msk $0xffff, v3  }
0x2cb: {  	v4 =	vor.u32 v41, v2;
	v3 =	vld.idx.msk [tilespmem:v5+s14+$0x0], $0xffff  }
0x2cc: {  	v5 =	vor.u32 $0x9, v1;
	_ =	sdelay $0x3  }
0x2cd: {  	[tilespmem:v4+s21+$0x0] =	vst.idx.msk $0xffff, v3  }
0x2ce: {  	v4 =	vor.u32 v42, v2;
	v3 =	vld.idx.msk [tilespmem:v5+s14+$0x0], $0xffff  }
0x2cf: {  	v5 =	vor.u32 $0xA, v1;
	_ =	sdelay $0x3  }
0x2d0: {  	[tilespmem:v4+s21+$0x0] =	vst.idx.msk $0xffff, v3  }
0x2d1: {  	v4 =	vor.u32 v43, v2;
	v3 =	vld.idx.msk [tilespmem:v5+s14+$0x0], $0xffff  }
0x2d2: {  	v5 =	vor.u32 $0xB, v1;
	_ =	sdelay $0x3  }
0x2d3: {  	[tilespmem:v4+s21+$0x0] =	vst.idx.msk $0xffff, v3  }
0x2d4: {  	v4 =	vor.u32 v44, v2;
	v3 =	vld.idx.msk [tilespmem:v5+s14+$0x0], $0xffff  }
0x2d5: {  	v5 =	vor.u32 $0xC, v1;
	_ =	sdelay $0x3  }
0x2d6: {  	[tilespmem:v4+s21+$0x0] =	vst.idx.msk $0xffff, v3  }
0x2d7: {  	v4 =	vor.u32 v45, v2;
	v3 =	vld.idx.msk [tilespmem:v5+s14+$0x0], $0xffff  }
0x2d8: {  	v5 =	vor.u32 $0xD, v1;
	_ =	sdelay $0x3  }
0x2d9: {  	[tilespmem:v4+s21+$0x0] =	vst.idx.msk $0xffff, v3  }
0x2da: {  	v4 =	vor.u32 v46, v2;
	v3 =	vld.idx.msk [tilespmem:v5+s14+$0x0], $0xffff  }
0x2db: {  	v5 =	vor.u32 $0xE, v1;
	_ =	sdelay $0x3  }
0x2dc: {  	[tilespmem:v4+s21+$0x0] =	vst.idx.msk $0xffff, v3  }
0x2dd: {  	v4 =	vor.u32 v47, v2;
	v3 =	vld.idx.msk [tilespmem:v5+s14+$0x0], $0xffff  }
0x2de: {  	v5 =	vor.u32 $0xF, v1;
	_ =	sdelay $0x3  }
0x2df: {  	[tilespmem:v4+s21+$0x0] =	vst.idx.msk $0xffff, v3  }
0x2e0: {  	v4 =	vor.u32 v48, v2;
	v3 =	vld.idx.msk [tilespmem:v5+s14+$0x0], $0xffff  }
0x2e1: {  	v5 =	vor.u32 $0x10, v1;
	_ =	sdelay $0x3  }
0x2e2: {  	[tilespmem:v4+s21+$0x0] =	vst.idx.msk $0xffff, v3  }
0x2e3: {  	v4 =	vor.u32 v49, v2;
	v3 =	vld.idx.msk [tilespmem:v5+s14+$0x0], $0xffff  }
0x2e4: {  	v5 =	vor.u32 $0x11, v1;
	_ =	sdelay $0x3  }
0x2e5: {  	[tilespmem:v4+s21+$0x0] =	vst.idx.msk $0xffff, v3  }
0x2e6: {  	v4 =	vor.u32 v50, v2;
	v3 =	vld.idx.msk [tilespmem:v5+s14+$0x0], $0xffff  }
0x2e7: {  	v5 =	vor.u32 $0x12, v1;
	_ =	sdelay $0x3  }
0x2e8: {  	[tilespmem:v4+s21+$0x0] =	vst.idx.msk $0xffff, v3  }
0x2e9: {  	v4 =	vor.u32 v51, v2;
	v3 =	vld.idx.msk [tilespmem:v5+s14+$0x0], $0xffff  }
0x2ea: {  	v5 =	vor.u32 $0x13, v1;
	_ =	sdelay $0x3  }
0x2eb: {  	[tilespmem:v4+s21+$0x0] =	vst.idx.msk $0xffff, v3  }
0x2ec: {  	v4 =	vor.u32 v52, v2;
	v3 =	vld.idx.msk [tilespmem:v5+s14+$0x0], $0xffff  }
0x2ed: {  	v5 =	vor.u32 $0x14, v1;
	_ =	sdelay $0x3  }
0x2ee: {  	[tilespmem:v4+s21+$0x0] =	vst.idx.msk $0xffff, v3  }
0x2ef: {  	v4 =	vor.u32 v53, v2;
	v3 =	vld.idx.msk [tilespmem:v5+s14+$0x0], $0xffff  }
0x2f0: {  	v5 =	vor.u32 $0x15, v1;
	_ =	sdelay $0x3  }
0x2f1: {  	[tilespmem:v4+s21+$0x0] =	vst.idx.msk $0xffff, v3  }
0x2f2: {  	v4 =	vor.u32 v54, v2;
	v3 =	vld.idx.msk [tilespmem:v5+s14+$0x0], $0xffff  }
0x2f3: {  	v5 =	vor.u32 $0x16, v1;
	_ =	sdelay $0x3  }
0x2f4: {  	[tilespmem:v4+s21+$0x0] =	vst.idx.msk $0xffff, v3  }
0x2f5: {  	v4 =	vor.u32 v55, v2;
	v3 =	vld.idx.msk [tilespmem:v5+s14+$0x0], $0xffff  }
0x2f6: {  	v5 =	vor.u32 $0x17, v1;
	_ =	sdelay $0x3  }
0x2f7: {  	[tilespmem:v4+s21+$0x0] =	vst.idx.msk $0xffff, v3  }
0x2f8: {  	v4 =	vor.u32 v56, v2;
	v3 =	vld.idx.msk [tilespmem:v5+s14+$0x0], $0xffff  }
0x2f9: {  	v5 =	vor.u32 $0x18, v1;
	_ =	sdelay $0x3  }
0x2fa: {  	[tilespmem:v4+s21+$0x0] =	vst.idx.msk $0xffff, v3  }
0x2fb: {  	v4 =	vor.u32 v57, v2;
	v3 =	vld.idx.msk [tilespmem:v5+s14+$0x0], $0xffff  }
0x2fc: {  	v5 =	vor.u32 $0x19, v1;
	_ =	sdelay $0x3  }
0x2fd: {  	[tilespmem:v4+s21+$0x0] =	vst.idx.msk $0xffff, v3  }
0x2fe: {  	v4 =	vor.u32 v58, v2;
	v3 =	vld.idx.msk [tilespmem:v5+s14+$0x0], $0xffff  }
0x2ff: {  	v5 =	vor.u32 $0x1A, v1;
	_ =	sdelay $0x3  }
0x300: {  	[tilespmem:v4+s21+$0x0] =	vst.idx.msk $0xffff, v3  }
0x301: {  	v4 =	vor.u32 v59, v2;
	v3 =	vld.idx.msk [tilespmem:v5+s14+$0x0], $0xffff  }
0x302: {  	v5 =	vor.u32 $0x1B, v1;
	_ =	sdelay $0x3  }
0x303: {  	[tilespmem:v4+s21+$0x0] =	vst.idx.msk $0xffff, v3  }
0x304: {  	v4 =	vor.u32 v60, v2;
	v3 =	vld.idx.msk [tilespmem:v5+s14+$0x0], $0xffff  }
0x305: {  	v5 =	vor.u32 $0x1C, v1;
	_ =	sdelay $0x3  }
0x306: {  	[tilespmem:v4+s21+$0x0] =	vst.idx.msk $0xffff, v3  }
0x307: {  	v4 =	vor.u32 v61, v2;
	v3 =	vld.idx.msk [tilespmem:v5+s14+$0x0], $0xffff  }
0x308: {  	v5 =	vor.u32 $0x1D, v1;
	_ =	sdelay $0x3  }
0x309: {  	[tilespmem:v4+s21+$0x0] =	vst.idx.msk $0xffff, v3  }
0x30a: {  	v4 =	vor.u32 v62, v2;
	v3 =	vld.idx.msk [tilespmem:v5+s14+$0x0], $0xffff  }
0x30b: {  	v5 =	vor.u32 $0x1E, v1;
	_ =	sdelay $0x3  }
0x30c: {  	[tilespmem:v4+s21+$0x0] =	vst.idx.msk $0xffff, v3  }
0x30d: {  	v4 =	vor.u32 v63, v2;
	v3 =	vld.idx.msk [tilespmem:v5+s14+$0x0], $0xffff  }
0x30e: {  	v1 =	vor.u32 $0x1F, v1;
	_ =	sdelay $0x3  }
0x30f: {  	[tilespmem:v4+s21+$0x0] =	vst.idx.msk $0xffff, v3  }
0x310: {  	v0 =	vor.u32 v0, v2;
	v1 =	vld.idx.msk [tilespmem:v1+s14+$0x0], $0xffff;
	_ =	sdelay $0x4  }
0x311: {  	[tilespmem:v0+s21+$0x0] =	vst.idx.msk $0xffff, v1  }
0x312: {  	[hbm4b:s9+s1] =	stream.linear.scatter [tilespmem:s21], [sflag:$0x2], $0x8000, $0x38;
	[tilespmem:$0x18400] =	vst v63  }
0x313: {  	_ =	swait.ge [sflag:s11], $0x8000  }
0x314: {  	v1 =	vld [tilespmem:$0x1FE00]  }
0x315: {  	v7 =	vld [tilespmem:$0x1FE10]  }
0x316: {  	v8 =	vld [tilespmem:$0x1FE20]  }
0x317: {  	v9 =	vld [tilespmem:$0x1FE30]  }
0x318: {  	v10 =	vld [tilespmem:$0x1FE40]  }
0x319: {  	v11 =	vld [tilespmem:$0x1FE50]  }
0x31a: {  	v12 =	vld [tilespmem:$0x1FE60]  }
0x31b: {  	v13 =	vld [tilespmem:$0x1FE70]  }
0x31c: {  	v14 =	vld [tilespmem:$0x1FE80]  }
0x31d: {  	v15 =	vld [tilespmem:$0x1FE90]  }
0x31e: {  	v16 =	vld [tilespmem:$0x1FEA0]  }
0x31f: {  	v17 =	vld [tilespmem:$0x1FEB0]  }
0x320: {  	v18 =	vld [tilespmem:$0x1FEC0]  }
0x321: {  	v19 =	vld [tilespmem:$0x1FED0]  }
0x322: {  	v20 =	vld [tilespmem:$0x1FEE0]  }
0x323: {  	v21 =	vld [tilespmem:$0x1FEF0]  }
0x324: {  	v22 =	vld [tilespmem:$0x1FF00]  }
0x325: {  	v23 =	vld [tilespmem:$0x1FF10]  }
0x326: {  	v24 =	vld [tilespmem:$0x1FF20]  }
0x327: {  	v25 =	vld [tilespmem:$0x1FF30]  }
0x328: {  	v26 =	vld [tilespmem:$0x1FF40]  }
0x329: {  	v27 =	vld [tilespmem:$0x1FF50]  }
0x32a: {  	v28 =	vld [tilespmem:$0x1FF60]  }
0x32b: {  	v29 =	vld [tilespmem:$0x1FF70]  }
0x32c: {  	v30 =	vld [tilespmem:$0x1FF80]  }
0x32d: {  	s22 =	sadd.s32 $0x1, s22;
	v31 =	vld [tilespmem:$0x1FF90]  }
0x32e: {  	p0 =	sne.s32 s22, s10;
	v32 =	vld [tilespmem:$0x1FFA0]  }
.Ltmp2:
0x32f: {  	v33 =	vld [tilespmem:$0x1FFB0];
	(pc) =	sbr.rel @p0 .LBB2_1-.Ltmp2, $4  }
0x330: {  	v34 =	vld [tilespmem:$0x1FFC0]  }
0x331: {  	v35 =	vld [tilespmem:$0x1FFD0]  }
0x332: {  	[sflag:s11] =	ssyncset.done $0x0;
	v36 =	vld [tilespmem:$0x1FFE0]  }
0x333: {  	v37 =	vld [tilespmem:$0x1FFF0];
	[sflag:s11] =	ssyncadd.s32 $0xFFFF8000  }
0x334: {  	_ =	sfence.sel $0x180000  }
0x335: {  	[bflag:$0x0] =	sbarrier.arrive $0xFFFF  }
0x336: {  	p0 =	sne.s32 s2, $0x0;
	_ =	strace $0x90000047  }
0x337: {  	s0 =	sadd.s32 @!p0 $0x100000, s0;
	[bflag:$0x2] =	sbarrier.arrive $0xFFFF  }
0x338: {  	[sflag:s0] =	ssyncadd.tile.s32 @!p0 $0x1;
	_ =	shalt  }
.Lfunc_end2:
_tile_overlayer_lowered:
.L_overlay_start_2:
0x339: {  	(tag) =	ssettag $0x2  }
0x33a: {  	s0 =	rddreg [dreg:$0x0];
	s2 =	stileid.u32  }
0x33b: {  	s1 =	rddreg [dreg:$0x1];
	p0 =	sne.s32 s2, $0x0  }
0x33c: {  	s3 =	rddreg [dreg:$0x2];
	[bflag:$0x3] =	sbarrier.arrive $0xFFFF;
	s2 =	simm.s32 @!p0 $0x1C02  }
0x33d: {  	[timem:s3], [sflag:s2] =	dma.local @!p0 [hbm:s0], s1  }
0x33e: {  	s0 =	simm.s32 @!p0 $0x2  }
0x33f: {  	_ =	swait.ge @!p0 [sflag:s0], s1  }
0x340: {  	s1 =	ssub.s32 @!p0 $0x0, s1;
	[sflag:s0] =	ssyncset.done @!p0 $0x0  }
0x341: {  	[sflag:s0] =	ssyncadd.s32 @!p0 s1  }
0x342: {  	[bflag:$0x3] =	sbarrier.arrive $0xFFFF  }
0x343: {  	_ =	shalt  }

</sc_bundles>
